<compile_context>
chip_gen: v7x
topology: tpu7x:2x2x1
jax: 0.10.2.dev20260603
libtpu: 0.0.44.dev20260713+nightly
codegen_flags: <defaults>
</compile_context>

<pallas_src>
import jax
import jax.numpy as jnp
from jax import lax
from jax.experimental import pallas as pl
from jax.experimental.pallas import tpu as pltpu
from jax.experimental.pallas import tpu_sc as plsc

VOCAB = 1000000
MAX_LEN = 200
FEAT = 64
BATCH = 4096

NC = 2
NS = 16
NW = NC * NS
SEQ_PER_W = BATCH // NW
LANES = 16
VPF = FEAT // LANES
NBUF = 4
CH0, CH1 = 128, MAX_LEN - 128


def _emb_body(x_hbm, emb_hbm, pe_hbm, out_hbm, idx_all, rows, pe_v, gsem, osem):
    wid = lax.axis_index("s") * NC + lax.axis_index("c")
    base = wid * SEQ_PER_W
    pltpu.sync_copy(pe_hbm, pe_v)
    pltpu.sync_copy(x_hbm.at[pl.ds(base, SEQ_PER_W)], idx_all)

    def issue_gather(s, b):
        pltpu.async_copy(emb_hbm.at[idx_all.at[s, pl.ds(0, CH0)]],
                         rows.at[b, pl.ds(0, CH0)], gsem.at[b])
        pltpu.async_copy(emb_hbm.at[idx_all.at[s, pl.ds(CH0, CH1)]],
                         rows.at[b, pl.ds(CH0, CH1)], gsem.at[b])

    def wait_gather(s, b):
        pltpu.make_async_copy(emb_hbm.at[idx_all.at[s, pl.ds(0, CH0)]],
                              rows.at[b, pl.ds(0, CH0)], gsem.at[b]).wait()
        pltpu.make_async_copy(emb_hbm.at[idx_all.at[s, pl.ds(CH0, CH1)]],
                              rows.at[b, pl.ds(CH0, CH1)], gsem.at[b]).wait()

    def wait_store(b):
        pltpu.make_async_copy(rows.at[b], out_hbm.at[base], osem.at[b]).wait()

    for b in range(NBUF - 1):
        issue_gather(b, b)

    def outer(g, _):
        for b in range(NBUF):
            s = NBUF * g + b
            bf = (b + NBUF - 1) % NBUF
            f = s + NBUF - 1

            @pl.when(jnp.logical_and(s >= 1, f < SEQ_PER_W))
            def _():
                wait_store(bf)

            @pl.when(f < SEQ_PER_W)
            def _():
                issue_gather(f, bf)

            wait_gather(s, b)

            def add_rows(r, _):
                for u in range(2):
                    rr = 2 * r + u
                    for c in range(VPF):
                        sl = pl.ds(c * LANES, LANES)
                        rows[b, rr, sl] = rows[b, rr, sl] + pe_v[rr, sl]
                return 0

            lax.fori_loop(0, MAX_LEN // 2, add_rows, 0)
            pltpu.async_copy(rows.at[b], out_hbm.at[base + s], osem.at[b])
        return 0

    lax.fori_loop(0, SEQ_PER_W // NBUF, outer, 0)
    for b in range(NBUF):
        wait_store(b)


def kernel(x, emb_token, pe):
    x = x.astype(jnp.int32)
    mesh = plsc.VectorSubcoreMesh(core_axis_name="c", subcore_axis_name="s")
    return pl.kernel(
        _emb_body,
        out_type=jax.ShapeDtypeStruct((BATCH, MAX_LEN, FEAT), jnp.float32),
        mesh=mesh,
        compiler_params=pltpu.CompilerParams(use_tc_tiling_on_sc=False),
        scratch_types=[
            pltpu.VMEM((SEQ_PER_W, MAX_LEN), jnp.int32),
            pltpu.VMEM((NBUF, MAX_LEN, FEAT), jnp.float32),
            pltpu.VMEM((MAX_LEN, FEAT), jnp.float32),
            pltpu.SemaphoreType.DMA((NBUF,)),
            pltpu.SemaphoreType.DMA((NBUF,)),
        ],
    )(x, emb_token, pe)

# --- scband reference (transcript-rebuilt; emitter-appended) ---
"""Pipeline reference for scband-trs-embedding-46961172414845 (READ-ONLY COPY).

The authoritative reference and input builder live on the scoring server;
editing this copy changes nothing except your own understanding.
"""

import jax, jax.numpy as jnp
import numpy as np

VOCAB = 1000000
MAX_LEN = 200
FEAT = 64
BATCH = 4096

def setup_inputs(seed: int = 0) -> dict:
    key = jax.random.key(seed)
    k_idx, k_tok, k_pe = jax.random.split(key, 3)
    x = jax.random.randint(k_idx, (BATCH, MAX_LEN), 0, VOCAB, dtype=jnp.int64 if jax.config.jax_enable_x64 else jnp.int32)
    emb_token = jax.random.normal(k_tok, (VOCAB, FEAT), dtype=jnp.float32) * 0.02
    # padding_idx=0 -> row 0 initialized to zeros
    emb_token = emb_token.at[0].set(0.0)
    pe = jax.random.normal(k_pe, (MAX_LEN, FEAT), dtype=jnp.float32) * 0.02
    return {"x": x, "emb_token": emb_token, "pe": pe}

def reference(x, emb_token, pe):
    # TrsEmbedding.forward with BOOL=False, dropout in eval mode (identity)
    tok = jnp.take(emb_token, x, axis=0)           # [B, L, F] embedding gather
    pos = jnp.broadcast_to(pe[None, :, :], tok.shape)  # PositionalEmbedding: repeat pe over batch
    return tok + pos

if __name__ == "__main__":
    import jax
    _d = setup_inputs()
    print(jax.jit(kernel)(*tuple(_d.values())))

</pallas_src>

<mosaic_0001>
#map = affine_map<(d0, d1) -> (0, 0)>
#map1 = affine_map<(d0, d1) -> (0, 0, 0)>
module attributes {stable_mosaic.version = 14 : i64} {
  func.func @_emb_body(%arg0: i32, %arg1: i32, %arg2: memref<4096x200xi32, #tpu.memory_space<hbm>>, %arg3: memref<1000000x64xf32, #tpu.memory_space<hbm>>, %arg4: memref<200x64xf32, #tpu.memory_space<hbm>>, %arg5: memref<4096x200x64xf32, #tpu.memory_space<hbm>>, %arg6: memref<128x200xi32, #tpu.memory_space<vmem>>, %arg7: memref<4x200x64xf32, #tpu.memory_space<vmem>>, %arg8: memref<200x64xf32, #tpu.memory_space<vmem>>, %arg9: memref<4x!tpu.dma_semaphore, #tpu.memory_space<semaphore_mem>>, %arg10: memref<4x!tpu.dma_semaphore, #tpu.memory_space<semaphore_mem>>) attributes {dimension_semantics = [#tpu.dimension_semantics<core_parallel>, #tpu.dimension_semantics<subcore_parallel>], iteration_bounds = array<i64: 2, 16>, scalar_prefetch = 0 : i64, scratch_operands = 5 : i64, tpu.core_type = #tpu.core_type<sc_vector_subcore>, window_params = [{transform_indices = #map}, {transform_indices = #map}, {transform_indices = #map}, {transform_indices = #map1}]} {
    %mul3A = arith.constant 2 : i32
    %mul3A_0 = arith.muli %arg1, %mul3A : i32
    %add3A = arith.addi %mul3A_0, %arg0 : i32
    %mul3A_1 = arith.constant 128 : i32
    %mul3A_2 = arith.muli %add3A, %mul3A_1 : i32
    "tpu.region"() ({
      %run_scoped3A = tpu.sem_alloc : memref<!tpu.dma_semaphore, #tpu.memory_space<semaphore_mem>>
      tpu.enqueue_dma source(%arg4 : memref<200x64xf32, #tpu.memory_space<hbm>>) target(%arg8 : memref<200x64xf32, #tpu.memory_space<vmem>>) target_semaphore(%run_scoped3A : memref<!tpu.dma_semaphore, #tpu.memory_space<semaphore_mem>>)
      tpu.wait_dma2 semaphore(%run_scoped3A : memref<!tpu.dma_semaphore, #tpu.memory_space<semaphore_mem>>) src(%arg4 : memref<200x64xf32, #tpu.memory_space<hbm>>) dst(%arg8 : memref<200x64xf32, #tpu.memory_space<vmem>>)
      tpu.yield
    }) : () -> ()
    "tpu.region"() ({
      %run_scoped3A = tpu.sem_alloc : memref<!tpu.dma_semaphore, #tpu.memory_space<semaphore_mem>>
      %dma_start3A_177 = arith.constant 0 : i32
      %dma_start3A_178 = tpu.memref_slice %arg2[%mul3A_2, %dma_start3A_177] : memref<4096x200xi32, #tpu.memory_space<hbm>> -> memref<128x200xi32, #tpu.memory_space<hbm>>
      %dma_start3A_179 = arith.constant 0 : i32
      %dma_start3A_180 = tpu.memref_slice %arg2[%mul3A_2, %dma_start3A_179] : memref<4096x200xi32, #tpu.memory_space<hbm>> -> memref<128x200xi32, #tpu.memory_space<hbm>>
      tpu.enqueue_dma source(%dma_start3A_180 : memref<128x200xi32, #tpu.memory_space<hbm>>) target(%arg6 : memref<128x200xi32, #tpu.memory_space<vmem>>) target_semaphore(%run_scoped3A : memref<!tpu.dma_semaphore, #tpu.memory_space<semaphore_mem>>)
      %dma_wait3A_181 = arith.constant 0 : i32
      %dma_wait3A_182 = tpu.memref_slice %arg2[%mul3A_2, %dma_wait3A_181] : memref<4096x200xi32, #tpu.memory_space<hbm>> -> memref<128x200xi32, #tpu.memory_space<hbm>>
      %dma_wait3A_183 = arith.constant 0 : i32
      %dma_wait3A_184 = tpu.memref_slice %arg2[%mul3A_2, %dma_wait3A_183] : memref<4096x200xi32, #tpu.memory_space<hbm>> -> memref<128x200xi32, #tpu.memory_space<hbm>>
      tpu.wait_dma2 semaphore(%run_scoped3A : memref<!tpu.dma_semaphore, #tpu.memory_space<semaphore_mem>>) src(%dma_wait3A_184 : memref<128x200xi32, #tpu.memory_space<hbm>>) dst(%arg6 : memref<128x200xi32, #tpu.memory_space<vmem>>)
      tpu.yield
    }) : () -> ()
    %dma_start3A = arith.constant 0 : i32
    %dma_start3A_3 = arith.constant 0 : i32
    %dma_start3A_4 = arith.constant 0 : i32
    %dma_start3A_5 = arith.constant 0 : i32
    %dma_start3A_6 = arith.constant 0 : i32
    %dma_start3A_7 = tpu.memref_slice %arg7[%dma_start3A_3, %dma_start3A_5, %dma_start3A_6] : memref<4x200x64xf32, #tpu.memory_space<vmem>> -> memref<1x128x64xf32, #tpu.memory_space<vmem>>
    %dma_start3A_8 = tpu.memref_squeeze %dma_start3A_7 : memref<1x128x64xf32, #tpu.memory_space<vmem>> -> memref<128x64xf32, #tpu.memory_space<vmem>>
    %dma_start3A_9 = arith.constant 0 : i32
    %dma_start3A_10 = tpu.memref_slice %arg6[%dma_start3A, %dma_start3A_9] : memref<128x200xi32, #tpu.memory_space<vmem>> -> memref<1x128xi32, #tpu.memory_space<vmem>>
    %dma_start3A_11 = tpu.memref_squeeze %dma_start3A_10 : memref<1x128xi32, #tpu.memory_space<vmem>> -> memref<128xi32, #tpu.memory_space<vmem>>
    %dma_start3A_12 = arith.constant 0 : i32
    %dma_start3A_13 = arith.constant 0 : i32
    %dma_start3A_14 = tpu.memref_slice %arg3[%dma_start3A_12, %dma_start3A_13] : memref<1000000x64xf32, #tpu.memory_space<hbm>> -> memref<1000000x64xf32, #tpu.memory_space<hbm>>
    %dma_start3A_15 = tpu.memref_slice %arg9[%dma_start3A_4] : memref<4x!tpu.dma_semaphore, #tpu.memory_space<semaphore_mem>> -> memref<1x!tpu.dma_semaphore, #tpu.memory_space<semaphore_mem>>
    %dma_start3A_16 = tpu.memref_squeeze %dma_start3A_15 : memref<1x!tpu.dma_semaphore, #tpu.memory_space<semaphore_mem>> -> memref<!tpu.dma_semaphore, #tpu.memory_space<semaphore_mem>>
    tpu.enqueue_indirect_dma source(%dma_start3A_14 : memref<1000000x64xf32, #tpu.memory_space<hbm>>) target(%dma_start3A_8 : memref<128x64xf32, #tpu.memory_space<vmem>>) offsets(%dma_start3A_11 : memref<128xi32, #tpu.memory_space<vmem>>) semaphore(%dma_start3A_16 : memref<!tpu.dma_semaphore, #tpu.memory_space<semaphore_mem>>)
    %dma_start3A_17 = arith.constant 0 : i32
    %dma_start3A_18 = arith.constant 0 : i32
    %dma_start3A_19 = arith.constant 0 : i32
    %dma_start3A_20 = arith.constant 128 : i32
    %dma_start3A_21 = arith.constant 0 : i32
    %dma_start3A_22 = tpu.memref_slice %arg7[%dma_start3A_18, %dma_start3A_20, %dma_start3A_21] : memref<4x200x64xf32, #tpu.memory_space<vmem>> -> memref<1x72x64xf32, #tpu.memory_space<vmem>>
    %dma_start3A_23 = tpu.memref_squeeze %dma_start3A_22 : memref<1x72x64xf32, #tpu.memory_space<vmem>> -> memref<72x64xf32, #tpu.memory_space<vmem>>
    %dma_start3A_24 = arith.constant 128 : i32
    %dma_start3A_25 = tpu.memref_slice %arg6[%dma_start3A_17, %dma_start3A_24] : memref<128x200xi32, #tpu.memory_space<vmem>> -> memref<1x72xi32, #tpu.memory_space<vmem>>
    %dma_start3A_26 = tpu.memref_squeeze %dma_start3A_25 : memref<1x72xi32, #tpu.memory_space<vmem>> -> memref<72xi32, #tpu.memory_space<vmem>>
    %dma_start3A_27 = arith.constant 0 : i32
    %dma_start3A_28 = arith.constant 0 : i32
    %dma_start3A_29 = tpu.memref_slice %arg3[%dma_start3A_27, %dma_start3A_28] : memref<1000000x64xf32, #tpu.memory_space<hbm>> -> memref<1000000x64xf32, #tpu.memory_space<hbm>>
    %dma_start3A_30 = tpu.memref_slice %arg9[%dma_start3A_19] : memref<4x!tpu.dma_semaphore, #tpu.memory_space<semaphore_mem>> -> memref<1x!tpu.dma_semaphore, #tpu.memory_space<semaphore_mem>>
    %dma_start3A_31 = tpu.memref_squeeze %dma_start3A_30 : memref<1x!tpu.dma_semaphore, #tpu.memory_space<semaphore_mem>> -> memref<!tpu.dma_semaphore, #tpu.memory_space<semaphore_mem>>
    tpu.enqueue_indirect_dma source(%dma_start3A_29 : memref<1000000x64xf32, #tpu.memory_space<hbm>>) target(%dma_start3A_23 : memref<72x64xf32, #tpu.memory_space<vmem>>) offsets(%dma_start3A_26 : memref<72xi32, #tpu.memory_space<vmem>>) semaphore(%dma_start3A_31 : memref<!tpu.dma_semaphore, #tpu.memory_space<semaphore_mem>>)
    %dma_start3A_32 = arith.constant 1 : i32
    %dma_start3A_33 = arith.constant 1 : i32
    %dma_start3A_34 = arith.constant 1 : i32
    %dma_start3A_35 = arith.constant 0 : i32
    %dma_start3A_36 = arith.constant 0 : i32
    %dma_start3A_37 = tpu.memref_slice %arg7[%dma_start3A_33, %dma_start3A_35, %dma_start3A_36] : memref<4x200x64xf32, #tpu.memory_space<vmem>> -> memref<1x128x64xf32, #tpu.memory_space<vmem>>
    %dma_start3A_38 = tpu.memref_squeeze %dma_start3A_37 : memref<1x128x64xf32, #tpu.memory_space<vmem>> -> memref<128x64xf32, #tpu.memory_space<vmem>>
    %dma_start3A_39 = arith.constant 0 : i32
    %dma_start3A_40 = tpu.memref_slice %arg6[%dma_start3A_32, %dma_start3A_39] : memref<128x200xi32, #tpu.memory_space<vmem>> -> memref<1x128xi32, #tpu.memory_space<vmem>>
    %dma_start3A_41 = tpu.memref_squeeze %dma_start3A_40 : memref<1x128xi32, #tpu.memory_space<vmem>> -> memref<128xi32, #tpu.memory_space<vmem>>
    %dma_start3A_42 = arith.constant 0 : i32
    %dma_start3A_43 = arith.constant 0 : i32
    %dma_start3A_44 = tpu.memref_slice %arg3[%dma_start3A_42, %dma_start3A_43] : memref<1000000x64xf32, #tpu.memory_space<hbm>> -> memref<1000000x64xf32, #tpu.memory_space<hbm>>
    %dma_start3A_45 = tpu.memref_slice %arg9[%dma_start3A_34] : memref<4x!tpu.dma_semaphore, #tpu.memory_space<semaphore_mem>> -> memref<1x!tpu.dma_semaphore, #tpu.memory_space<semaphore_mem>>
    %dma_start3A_46 = tpu.memref_squeeze %dma_start3A_45 : memref<1x!tpu.dma_semaphore, #tpu.memory_space<semaphore_mem>> -> memref<!tpu.dma_semaphore, #tpu.memory_space<semaphore_mem>>
    tpu.enqueue_indirect_dma source(%dma_start3A_44 : memref<1000000x64xf32, #tpu.memory_space<hbm>>) target(%dma_start3A_38 : memref<128x64xf32, #tpu.memory_space<vmem>>) offsets(%dma_start3A_41 : memref<128xi32, #tpu.memory_space<vmem>>) semaphore(%dma_start3A_46 : memref<!tpu.dma_semaphore, #tpu.memory_space<semaphore_mem>>)
    %dma_start3A_47 = arith.constant 1 : i32
    %dma_start3A_48 = arith.constant 1 : i32
    %dma_start3A_49 = arith.constant 1 : i32
    %dma_start3A_50 = arith.constant 128 : i32
    %dma_start3A_51 = arith.constant 0 : i32
    %dma_start3A_52 = tpu.memref_slice %arg7[%dma_start3A_48, %dma_start3A_50, %dma_start3A_51] : memref<4x200x64xf32, #tpu.memory_space<vmem>> -> memref<1x72x64xf32, #tpu.memory_space<vmem>>
    %dma_start3A_53 = tpu.memref_squeeze %dma_start3A_52 : memref<1x72x64xf32, #tpu.memory_space<vmem>> -> memref<72x64xf32, #tpu.memory_space<vmem>>
    %dma_start3A_54 = arith.constant 128 : i32
    %dma_start3A_55 = tpu.memref_slice %arg6[%dma_start3A_47, %dma_start3A_54] : memref<128x200xi32, #tpu.memory_space<vmem>> -> memref<1x72xi32, #tpu.memory_space<vmem>>
    %dma_start3A_56 = tpu.memref_squeeze %dma_start3A_55 : memref<1x72xi32, #tpu.memory_space<vmem>> -> memref<72xi32, #tpu.memory_space<vmem>>
    %dma_start3A_57 = arith.constant 0 : i32
    %dma_start3A_58 = arith.constant 0 : i32
    %dma_start3A_59 = tpu.memref_slice %arg3[%dma_start3A_57, %dma_start3A_58] : memref<1000000x64xf32, #tpu.memory_space<hbm>> -> memref<1000000x64xf32, #tpu.memory_space<hbm>>
    %dma_start3A_60 = tpu.memref_slice %arg9[%dma_start3A_49] : memref<4x!tpu.dma_semaphore, #tpu.memory_space<semaphore_mem>> -> memref<1x!tpu.dma_semaphore, #tpu.memory_space<semaphore_mem>>
    %dma_start3A_61 = tpu.memref_squeeze %dma_start3A_60 : memref<1x!tpu.dma_semaphore, #tpu.memory_space<semaphore_mem>> -> memref<!tpu.dma_semaphore, #tpu.memory_space<semaphore_mem>>
    tpu.enqueue_indirect_dma source(%dma_start3A_59 : memref<1000000x64xf32, #tpu.memory_space<hbm>>) target(%dma_start3A_53 : memref<72x64xf32, #tpu.memory_space<vmem>>) offsets(%dma_start3A_56 : memref<72xi32, #tpu.memory_space<vmem>>) semaphore(%dma_start3A_61 : memref<!tpu.dma_semaphore, #tpu.memory_space<semaphore_mem>>)
    %dma_start3A_62 = arith.constant 2 : i32
    %dma_start3A_63 = arith.constant 2 : i32
    %dma_start3A_64 = arith.constant 2 : i32
    %dma_start3A_65 = arith.constant 0 : i32
    %dma_start3A_66 = arith.constant 0 : i32
    %dma_start3A_67 = tpu.memref_slice %arg7[%dma_start3A_63, %dma_start3A_65, %dma_start3A_66] : memref<4x200x64xf32, #tpu.memory_space<vmem>> -> memref<1x128x64xf32, #tpu.memory_space<vmem>>
    %dma_start3A_68 = tpu.memref_squeeze %dma_start3A_67 : memref<1x128x64xf32, #tpu.memory_space<vmem>> -> memref<128x64xf32, #tpu.memory_space<vmem>>
    %dma_start3A_69 = arith.constant 0 : i32
    %dma_start3A_70 = tpu.memref_slice %arg6[%dma_start3A_62, %dma_start3A_69] : memref<128x200xi32, #tpu.memory_space<vmem>> -> memref<1x128xi32, #tpu.memory_space<vmem>>
    %dma_start3A_71 = tpu.memref_squeeze %dma_start3A_70 : memref<1x128xi32, #tpu.memory_space<vmem>> -> memref<128xi32, #tpu.memory_space<vmem>>
    %dma_start3A_72 = arith.constant 0 : i32
    %dma_start3A_73 = arith.constant 0 : i32
    %dma_start3A_74 = tpu.memref_slice %arg3[%dma_start3A_72, %dma_start3A_73] : memref<1000000x64xf32, #tpu.memory_space<hbm>> -> memref<1000000x64xf32, #tpu.memory_space<hbm>>
    %dma_start3A_75 = tpu.memref_slice %arg9[%dma_start3A_64] : memref<4x!tpu.dma_semaphore, #tpu.memory_space<semaphore_mem>> -> memref<1x!tpu.dma_semaphore, #tpu.memory_space<semaphore_mem>>
    %dma_start3A_76 = tpu.memref_squeeze %dma_start3A_75 : memref<1x!tpu.dma_semaphore, #tpu.memory_space<semaphore_mem>> -> memref<!tpu.dma_semaphore, #tpu.memory_space<semaphore_mem>>
    tpu.enqueue_indirect_dma source(%dma_start3A_74 : memref<1000000x64xf32, #tpu.memory_space<hbm>>) target(%dma_start3A_68 : memref<128x64xf32, #tpu.memory_space<vmem>>) offsets(%dma_start3A_71 : memref<128xi32, #tpu.memory_space<vmem>>) semaphore(%dma_start3A_76 : memref<!tpu.dma_semaphore, #tpu.memory_space<semaphore_mem>>)
    %dma_start3A_77 = arith.constant 2 : i32
    %dma_start3A_78 = arith.constant 2 : i32
    %dma_start3A_79 = arith.constant 2 : i32
    %dma_start3A_80 = arith.constant 128 : i32
    %dma_start3A_81 = arith.constant 0 : i32
    %dma_start3A_82 = tpu.memref_slice %arg7[%dma_start3A_78, %dma_start3A_80, %dma_start3A_81] : memref<4x200x64xf32, #tpu.memory_space<vmem>> -> memref<1x72x64xf32, #tpu.memory_space<vmem>>
    %dma_start3A_83 = tpu.memref_squeeze %dma_start3A_82 : memref<1x72x64xf32, #tpu.memory_space<vmem>> -> memref<72x64xf32, #tpu.memory_space<vmem>>
    %dma_start3A_84 = arith.constant 128 : i32
    %dma_start3A_85 = tpu.memref_slice %arg6[%dma_start3A_77, %dma_start3A_84] : memref<128x200xi32, #tpu.memory_space<vmem>> -> memref<1x72xi32, #tpu.memory_space<vmem>>
    %dma_start3A_86 = tpu.memref_squeeze %dma_start3A_85 : memref<1x72xi32, #tpu.memory_space<vmem>> -> memref<72xi32, #tpu.memory_space<vmem>>
    %dma_start3A_87 = arith.constant 0 : i32
    %dma_start3A_88 = arith.constant 0 : i32
    %dma_start3A_89 = tpu.memref_slice %arg3[%dma_start3A_87, %dma_start3A_88] : memref<1000000x64xf32, #tpu.memory_space<hbm>> -> memref<1000000x64xf32, #tpu.memory_space<hbm>>
    %dma_start3A_90 = tpu.memref_slice %arg9[%dma_start3A_79] : memref<4x!tpu.dma_semaphore, #tpu.memory_space<semaphore_mem>> -> memref<1x!tpu.dma_semaphore, #tpu.memory_space<semaphore_mem>>
    %dma_start3A_91 = tpu.memref_squeeze %dma_start3A_90 : memref<1x!tpu.dma_semaphore, #tpu.memory_space<semaphore_mem>> -> memref<!tpu.dma_semaphore, #tpu.memory_space<semaphore_mem>>
    tpu.enqueue_indirect_dma source(%dma_start3A_89 : memref<1000000x64xf32, #tpu.memory_space<hbm>>) target(%dma_start3A_83 : memref<72x64xf32, #tpu.memory_space<vmem>>) offsets(%dma_start3A_86 : memref<72xi32, #tpu.memory_space<vmem>>) semaphore(%dma_start3A_91 : memref<!tpu.dma_semaphore, #tpu.memory_space<semaphore_mem>>)
    %scan3A = arith.constant 0 : i32
    %scan3A_92 = arith.constant 0 : i32
    %scan3A_93 = arith.constant 32 : i32
    %scan3A_94 = arith.addi %scan3A_92, %scan3A_93 : i32
    %scan3A_95 = arith.constant 1 : i32
    %scan3A_96 = scf.for %scan3A_177 = %scan3A_92 to %scan3A_94 step %scan3A_95 iter_args(%scan3A_178 = %scan3A) -> (i32)  : i32 {
      %mul3A_179 = arith.constant 4 : i32
      %mul3A_180 = arith.muli %mul3A_179, %scan3A_177 : i32
      %add3A_181 = arith.constant 0 : i32
      %add3A_182 = arith.addi %mul3A_180, %add3A_181 : i32
      %add3A_183 = arith.constant 4 : i32
      %add3A_184 = arith.addi %add3A_182, %add3A_183 : i32
      %sub3A = arith.constant 1 : i32
      %sub3A_185 = arith.subi %add3A_184, %sub3A : i32
      %ge3A = arith.constant 1 : i32
      %ge3A_186 = arith.cmpi sge, %add3A_182, %ge3A : i32
      %lt3A = arith.constant 128 : i32
      %lt3A_187 = arith.cmpi slt, %sub3A_185, %lt3A : i32
      %and3A = arith.andi %ge3A_186, %lt3A_187 : i1
      %convert_element_type3A = arith.extui %and3A : i1 to i32
      %cond3A = arith.constant 0 : i32
      %cond3A_188 = arith.cmpi ne, %convert_element_type3A, %cond3A : i32
      scf.if %cond3A_188 {
        %dma_wait3A_482 = arith.constant 3 : i32
        %dma_wait3A_483 = arith.constant 3 : i32
        %dma_wait3A_484 = arith.constant 0 : i32
        %dma_wait3A_485 = arith.constant 0 : i32
        %dma_wait3A_486 = tpu.memref_slice %arg7[%dma_wait3A_482, %dma_wait3A_484, %dma_wait3A_485] : memref<4x200x64xf32, #tpu.memory_space<vmem>> -> memref<1x200x64xf32, #tpu.memory_space<vmem>>
        %dma_wait3A_487 = tpu.memref_squeeze %dma_wait3A_486 : memref<1x200x64xf32, #tpu.memory_space<vmem>> -> memref<200x64xf32, #tpu.memory_space<vmem>>
        %dma_wait3A_488 = arith.constant 0 : i32
        %dma_wait3A_489 = arith.constant 0 : i32
        %dma_wait3A_490 = tpu.memref_slice %arg5[%mul3A_2, %dma_wait3A_488, %dma_wait3A_489] : memref<4096x200x64xf32, #tpu.memory_space<hbm>> -> memref<1x200x64xf32, #tpu.memory_space<hbm>>
        %dma_wait3A_491 = tpu.memref_squeeze %dma_wait3A_490 : memref<1x200x64xf32, #tpu.memory_space<hbm>> -> memref<200x64xf32, #tpu.memory_space<hbm>>
        %dma_wait3A_492 = tpu.memref_slice %arg10[%dma_wait3A_483] : memref<4x!tpu.dma_semaphore, #tpu.memory_space<semaphore_mem>> -> memref<1x!tpu.dma_semaphore, #tpu.memory_space<semaphore_mem>>
        %dma_wait3A_493 = tpu.memref_squeeze %dma_wait3A_492 : memref<1x!tpu.dma_semaphore, #tpu.memory_space<semaphore_mem>> -> memref<!tpu.dma_semaphore, #tpu.memory_space<semaphore_mem>>
        %dma_wait3A_494 = arith.constant 0 : i32
        %dma_wait3A_495 = arith.constant 0 : i32
        %dma_wait3A_496 = tpu.memref_slice %arg5[%mul3A_2, %dma_wait3A_494, %dma_wait3A_495] : memref<4096x200x64xf32, #tpu.memory_space<hbm>> -> memref<1x200x64xf32, #tpu.memory_space<hbm>>
        %dma_wait3A_497 = tpu.memref_squeeze %dma_wait3A_496 : memref<1x200x64xf32, #tpu.memory_space<hbm>> -> memref<200x64xf32, #tpu.memory_space<hbm>>
        %dma_wait3A_498 = arith.constant 0 : i32
        %dma_wait3A_499 = arith.constant 0 : i32
        %dma_wait3A_500 = tpu.memref_slice %arg7[%dma_wait3A_482, %dma_wait3A_498, %dma_wait3A_499] : memref<4x200x64xf32, #tpu.memory_space<vmem>> -> memref<1x200x64xf32, #tpu.memory_space<vmem>>
        %dma_wait3A_501 = tpu.memref_squeeze %dma_wait3A_500 : memref<1x200x64xf32, #tpu.memory_space<vmem>> -> memref<200x64xf32, #tpu.memory_space<vmem>>
        tpu.wait_dma2 semaphore(%dma_wait3A_493 : memref<!tpu.dma_semaphore, #tpu.memory_space<semaphore_mem>>) src(%dma_wait3A_501 : memref<200x64xf32, #tpu.memory_space<vmem>>) dst(%dma_wait3A_497 : memref<200x64xf32, #tpu.memory_space<hbm>>)
      } else {
      }
      %lt3A_189 = arith.constant 128 : i32
      %lt3A_190 = arith.cmpi slt, %sub3A_185, %lt3A_189 : i32
      %convert_element_type3A_191 = arith.extui %lt3A_190 : i1 to i32
      %cond3A_192 = arith.constant 0 : i32
      %cond3A_193 = arith.cmpi ne, %convert_element_type3A_191, %cond3A_192 : i32
      scf.if %cond3A_193 {
        %dma_start3A_482 = arith.constant 3 : i32
        %dma_start3A_483 = arith.constant 3 : i32
        %dma_start3A_484 = arith.constant 0 : i32
        %dma_start3A_485 = arith.constant 0 : i32
        %dma_start3A_486 = tpu.memref_slice %arg7[%dma_start3A_482, %dma_start3A_484, %dma_start3A_485] : memref<4x200x64xf32, #tpu.memory_space<vmem>> -> memref<1x128x64xf32, #tpu.memory_space<vmem>>
        %dma_start3A_487 = tpu.memref_squeeze %dma_start3A_486 : memref<1x128x64xf32, #tpu.memory_space<vmem>> -> memref<128x64xf32, #tpu.memory_space<vmem>>
        %dma_start3A_488 = arith.constant 0 : i32
        %dma_start3A_489 = tpu.memref_slice %arg6[%sub3A_185, %dma_start3A_488] : memref<128x200xi32, #tpu.memory_space<vmem>> -> memref<1x128xi32, #tpu.memory_space<vmem>>
        %dma_start3A_490 = tpu.memref_squeeze %dma_start3A_489 : memref<1x128xi32, #tpu.memory_space<vmem>> -> memref<128xi32, #tpu.memory_space<vmem>>
        %dma_start3A_491 = arith.constant 0 : i32
        %dma_start3A_492 = arith.constant 0 : i32
        %dma_start3A_493 = tpu.memref_slice %arg3[%dma_start3A_491, %dma_start3A_492] : memref<1000000x64xf32, #tpu.memory_space<hbm>> -> memref<1000000x64xf32, #tpu.memory_space<hbm>>
        %dma_start3A_494 = tpu.memref_slice %arg9[%dma_start3A_483] : memref<4x!tpu.dma_semaphore, #tpu.memory_space<semaphore_mem>> -> memref<1x!tpu.dma_semaphore, #tpu.memory_space<semaphore_mem>>
        %dma_start3A_495 = tpu.memref_squeeze %dma_start3A_494 : memref<1x!tpu.dma_semaphore, #tpu.memory_space<semaphore_mem>> -> memref<!tpu.dma_semaphore, #tpu.memory_space<semaphore_mem>>
        tpu.enqueue_indirect_dma source(%dma_start3A_493 : memref<1000000x64xf32, #tpu.memory_space<hbm>>) target(%dma_start3A_487 : memref<128x64xf32, #tpu.memory_space<vmem>>) offsets(%dma_start3A_490 : memref<128xi32, #tpu.memory_space<vmem>>) semaphore(%dma_start3A_495 : memref<!tpu.dma_semaphore, #tpu.memory_space<semaphore_mem>>)
        %dma_start3A_496 = arith.constant 3 : i32
        %dma_start3A_497 = arith.constant 3 : i32
        %dma_start3A_498 = arith.constant 128 : i32
        %dma_start3A_499 = arith.constant 0 : i32
        %dma_start3A_500 = tpu.memref_slice %arg7[%dma_start3A_496, %dma_start3A_498, %dma_start3A_499] : memref<4x200x64xf32, #tpu.memory_space<vmem>> -> memref<1x72x64xf32, #tpu.memory_space<vmem>>
        %dma_start3A_501 = tpu.memref_squeeze %dma_start3A_500 : memref<1x72x64xf32, #tpu.memory_space<vmem>> -> memref<72x64xf32, #tpu.memory_space<vmem>>
        %dma_start3A_502 = arith.constant 128 : i32
        %dma_start3A_503 = tpu.memref_slice %arg6[%sub3A_185, %dma_start3A_502] : memref<128x200xi32, #tpu.memory_space<vmem>> -> memref<1x72xi32, #tpu.memory_space<vmem>>
        %dma_start3A_504 = tpu.memref_squeeze %dma_start3A_503 : memref<1x72xi32, #tpu.memory_space<vmem>> -> memref<72xi32, #tpu.memory_space<vmem>>
        %dma_start3A_505 = arith.constant 0 : i32
        %dma_start3A_506 = arith.constant 0 : i32
        %dma_start3A_507 = tpu.memref_slice %arg3[%dma_start3A_505, %dma_start3A_506] : memref<1000000x64xf32, #tpu.memory_space<hbm>> -> memref<1000000x64xf32, #tpu.memory_space<hbm>>
        %dma_start3A_508 = tpu.memref_slice %arg9[%dma_start3A_497] : memref<4x!tpu.dma_semaphore, #tpu.memory_space<semaphore_mem>> -> memref<1x!tpu.dma_semaphore, #tpu.memory_space<semaphore_mem>>
        %dma_start3A_509 = tpu.memref_squeeze %dma_start3A_508 : memref<1x!tpu.dma_semaphore, #tpu.memory_space<semaphore_mem>> -> memref<!tpu.dma_semaphore, #tpu.memory_space<semaphore_mem>>
        tpu.enqueue_indirect_dma source(%dma_start3A_507 : memref<1000000x64xf32, #tpu.memory_space<hbm>>) target(%dma_start3A_501 : memref<72x64xf32, #tpu.memory_space<vmem>>) offsets(%dma_start3A_504 : memref<72xi32, #tpu.memory_space<vmem>>) semaphore(%dma_start3A_509 : memref<!tpu.dma_semaphore, #tpu.memory_space<semaphore_mem>>)
      } else {
      }
      %dma_wait3A_194 = arith.constant 0 : i32
      %dma_wait3A_195 = arith.constant 0 : i32
      %dma_wait3A_196 = arith.constant 0 : i32
      %dma_wait3A_197 = arith.constant 0 : i32
      %dma_wait3A_198 = tpu.memref_slice %arg7[%dma_wait3A_194, %dma_wait3A_196, %dma_wait3A_197] : memref<4x200x64xf32, #tpu.memory_space<vmem>> -> memref<1x128x64xf32, #tpu.memory_space<vmem>>
      %dma_wait3A_199 = tpu.memref_squeeze %dma_wait3A_198 : memref<1x128x64xf32, #tpu.memory_space<vmem>> -> memref<128x64xf32, #tpu.memory_space<vmem>>
      %dma_wait3A_200 = arith.constant 0 : i32
      %dma_wait3A_201 = tpu.memref_slice %arg6[%add3A_182, %dma_wait3A_200] : memref<128x200xi32, #tpu.memory_space<vmem>> -> memref<1x128xi32, #tpu.memory_space<vmem>>
      %dma_wait3A_202 = tpu.memref_squeeze %dma_wait3A_201 : memref<1x128xi32, #tpu.memory_space<vmem>> -> memref<128xi32, #tpu.memory_space<vmem>>
      %dma_wait3A_203 = arith.constant 0 : i32
      %dma_wait3A_204 = arith.constant 0 : i32
      %dma_wait3A_205 = tpu.memref_slice %arg3[%dma_wait3A_203, %dma_wait3A_204] : memref<1000000x64xf32, #tpu.memory_space<hbm>> -> memref<1000000x64xf32, #tpu.memory_space<hbm>>
      %dma_wait3A_206 = tpu.memref_slice %arg9[%dma_wait3A_195] : memref<4x!tpu.dma_semaphore, #tpu.memory_space<semaphore_mem>> -> memref<1x!tpu.dma_semaphore, #tpu.memory_space<semaphore_mem>>
      %dma_wait3A_207 = tpu.memref_squeeze %dma_wait3A_206 : memref<1x!tpu.dma_semaphore, #tpu.memory_space<semaphore_mem>> -> memref<!tpu.dma_semaphore, #tpu.memory_space<semaphore_mem>>
      tpu.wait_indirect_dma semaphore(%dma_wait3A_207 : memref<!tpu.dma_semaphore, #tpu.memory_space<semaphore_mem>>) src(%dma_wait3A_205 : memref<1000000x64xf32, #tpu.memory_space<hbm>>) dst(%dma_wait3A_199 : memref<128x64xf32, #tpu.memory_space<vmem>>)
      %dma_wait3A_208 = arith.constant 0 : i32
      %dma_wait3A_209 = arith.constant 0 : i32
      %dma_wait3A_210 = arith.constant 128 : i32
      %dma_wait3A_211 = arith.constant 0 : i32
      %dma_wait3A_212 = tpu.memref_slice %arg7[%dma_wait3A_208, %dma_wait3A_210, %dma_wait3A_211] : memref<4x200x64xf32, #tpu.memory_space<vmem>> -> memref<1x72x64xf32, #tpu.memory_space<vmem>>
      %dma_wait3A_213 = tpu.memref_squeeze %dma_wait3A_212 : memref<1x72x64xf32, #tpu.memory_space<vmem>> -> memref<72x64xf32, #tpu.memory_space<vmem>>
      %dma_wait3A_214 = arith.constant 128 : i32
      %dma_wait3A_215 = tpu.memref_slice %arg6[%add3A_182, %dma_wait3A_214] : memref<128x200xi32, #tpu.memory_space<vmem>> -> memref<1x72xi32, #tpu.memory_space<vmem>>
      %dma_wait3A_216 = tpu.memref_squeeze %dma_wait3A_215 : memref<1x72xi32, #tpu.memory_space<vmem>> -> memref<72xi32, #tpu.memory_space<vmem>>
      %dma_wait3A_217 = arith.constant 0 : i32
      %dma_wait3A_218 = arith.constant 0 : i32
      %dma_wait3A_219 = tpu.memref_slice %arg3[%dma_wait3A_217, %dma_wait3A_218] : memref<1000000x64xf32, #tpu.memory_space<hbm>> -> memref<1000000x64xf32, #tpu.memory_space<hbm>>
      %dma_wait3A_220 = tpu.memref_slice %arg9[%dma_wait3A_209] : memref<4x!tpu.dma_semaphore, #tpu.memory_space<semaphore_mem>> -> memref<1x!tpu.dma_semaphore, #tpu.memory_space<semaphore_mem>>
      %dma_wait3A_221 = tpu.memref_squeeze %dma_wait3A_220 : memref<1x!tpu.dma_semaphore, #tpu.memory_space<semaphore_mem>> -> memref<!tpu.dma_semaphore, #tpu.memory_space<semaphore_mem>>
      tpu.wait_indirect_dma semaphore(%dma_wait3A_221 : memref<!tpu.dma_semaphore, #tpu.memory_space<semaphore_mem>>) src(%dma_wait3A_219 : memref<1000000x64xf32, #tpu.memory_space<hbm>>) dst(%dma_wait3A_213 : memref<72x64xf32, #tpu.memory_space<vmem>>)
      %scan3A_222 = arith.constant 0 : i32
      %scan3A_223 = arith.constant 0 : i32
      %scan3A_224 = arith.constant 100 : i32
      %scan3A_225 = arith.addi %scan3A_223, %scan3A_224 : i32
      %scan3A_226 = arith.constant 1 : i32
      %scan3A_227 = scf.for %scan3A_482 = %scan3A_223 to %scan3A_225 step %scan3A_226 iter_args(%scan3A_483 = %scan3A_222) -> (i32)  : i32 {
        %mul3A_484 = arith.constant 2 : i32
        %mul3A_485 = arith.muli %mul3A_484, %scan3A_482 : i32
        %add3A_486 = arith.constant 0 : i32
        %add3A_487 = arith.addi %mul3A_485, %add3A_486 : i32
        %get3A = arith.constant 0 : i32
        %get3A_488 = arith.index_cast %get3A : i32 to index
        %get3A_489 = arith.index_cast %add3A_487 : i32 to index
        %get3A_490 = arith.constant 0 : index
        %get3A_491 = tpu.vector_load %arg7[%get3A_488, %get3A_489, %get3A_490] {strides = array<i32>} : memref<4x200x64xf32, #tpu.memory_space<vmem>>, vector<1x1x16xf32>,
        %get3A_492 = vector.shape_cast %get3A_491 : vector<1x1x16xf32> to vector<16xf32>
        %get3A_493 = arith.index_cast %add3A_487 : i32 to index
        %get3A_494 = arith.constant 0 : index
        %get3A_495 = tpu.vector_load %arg8[%get3A_493, %get3A_494] {strides = array<i32>} : memref<200x64xf32, #tpu.memory_space<vmem>>, vector<1x16xf32>,
        %get3A_496 = vector.shape_cast %get3A_495 : vector<1x16xf32> to vector<16xf32>
        %add3A_497 = arith.addf %get3A_492, %get3A_496 : vector<16xf32>
        %swap3A = arith.constant 0 : i32
        %swap3A_498 = arith.index_cast %swap3A : i32 to index
        %swap3A_499 = arith.index_cast %add3A_487 : i32 to index
        %swap3A_500 = arith.constant 0 : index
        %swap3A_501 = tpu.vector_load %arg7[%swap3A_498, %swap3A_499, %swap3A_500] {strides = array<i32>} : memref<4x200x64xf32, #tpu.memory_space<vmem>>, vector<1x1x16xf32>,
        %swap3A_502 = vector.shape_cast %swap3A_501 : vector<1x1x16xf32> to vector<16xf32>
        %swap3A_503 = vector.shape_cast %add3A_497 : vector<16xf32> to vector<1x1x16xf32>
        tpu.vector_store %arg7[%swap3A_498, %swap3A_499, %swap3A_500], %swap3A_503 {strides = array<i32>} : memref<4x200x64xf32, #tpu.memory_space<vmem>>, vector<1x1x16xf32>,
        %get3A_504 = arith.constant 0 : i32
        %get3A_505 = arith.index_cast %get3A_504 : i32 to index
        %get3A_506 = arith.index_cast %add3A_487 : i32 to index
        %get3A_507 = arith.constant 16 : index
        %get3A_508 = tpu.vector_load %arg7[%get3A_505, %get3A_506, %get3A_507] {strides = array<i32>} : memref<4x200x64xf32, #tpu.memory_space<vmem>>, vector<1x1x16xf32>,
        %get3A_509 = vector.shape_cast %get3A_508 : vector<1x1x16xf32> to vector<16xf32>
        %get3A_510 = arith.index_cast %add3A_487 : i32 to index
        %get3A_511 = arith.constant 16 : index
        %get3A_512 = tpu.vector_load %arg8[%get3A_510, %get3A_511] {strides = array<i32>} : memref<200x64xf32, #tpu.memory_space<vmem>>, vector<1x16xf32>,
        %get3A_513 = vector.shape_cast %get3A_512 : vector<1x16xf32> to vector<16xf32>
        %add3A_514 = arith.addf %get3A_509, %get3A_513 : vector<16xf32>
        %swap3A_515 = arith.constant 0 : i32
        %swap3A_516 = arith.index_cast %swap3A_515 : i32 to index
        %swap3A_517 = arith.index_cast %add3A_487 : i32 to index
        %swap3A_518 = arith.constant 16 : index
        %swap3A_519 = tpu.vector_load %arg7[%swap3A_516, %swap3A_517, %swap3A_518] {strides = array<i32>} : memref<4x200x64xf32, #tpu.memory_space<vmem>>, vector<1x1x16xf32>,
        %swap3A_520 = vector.shape_cast %swap3A_519 : vector<1x1x16xf32> to vector<16xf32>
        %swap3A_521 = vector.shape_cast %add3A_514 : vector<16xf32> to vector<1x1x16xf32>
        tpu.vector_store %arg7[%swap3A_516, %swap3A_517, %swap3A_518], %swap3A_521 {strides = array<i32>} : memref<4x200x64xf32, #tpu.memory_space<vmem>>, vector<1x1x16xf32>,
        %get3A_522 = arith.constant 0 : i32
        %get3A_523 = arith.index_cast %get3A_522 : i32 to index
        %get3A_524 = arith.index_cast %add3A_487 : i32 to index
        %get3A_525 = arith.constant 32 : index
        %get3A_526 = tpu.vector_load %arg7[%get3A_523, %get3A_524, %get3A_525] {strides = array<i32>} : memref<4x200x64xf32, #tpu.memory_space<vmem>>, vector<1x1x16xf32>,
        %get3A_527 = vector.shape_cast %get3A_526 : vector<1x1x16xf32> to vector<16xf32>
        %get3A_528 = arith.index_cast %add3A_487 : i32 to index
        %get3A_529 = arith.constant 32 : index
        %get3A_530 = tpu.vector_load %arg8[%get3A_528, %get3A_529] {strides = array<i32>} : memref<200x64xf32, #tpu.memory_space<vmem>>, vector<1x16xf32>,
        %get3A_531 = vector.shape_cast %get3A_530 : vector<1x16xf32> to vector<16xf32>
        %add3A_532 = arith.addf %get3A_527, %get3A_531 : vector<16xf32>
        %swap3A_533 = arith.constant 0 : i32
        %swap3A_534 = arith.index_cast %swap3A_533 : i32 to index
        %swap3A_535 = arith.index_cast %add3A_487 : i32 to index
        %swap3A_536 = arith.constant 32 : index
        %swap3A_537 = tpu.vector_load %arg7[%swap3A_534, %swap3A_535, %swap3A_536] {strides = array<i32>} : memref<4x200x64xf32, #tpu.memory_space<vmem>>, vector<1x1x16xf32>,
        %swap3A_538 = vector.shape_cast %swap3A_537 : vector<1x1x16xf32> to vector<16xf32>
        %swap3A_539 = vector.shape_cast %add3A_532 : vector<16xf32> to vector<1x1x16xf32>
        tpu.vector_store %arg7[%swap3A_534, %swap3A_535, %swap3A_536], %swap3A_539 {strides = array<i32>} : memref<4x200x64xf32, #tpu.memory_space<vmem>>, vector<1x1x16xf32>,
        %get3A_540 = arith.constant 0 : i32
        %get3A_541 = arith.index_cast %get3A_540 : i32 to index
        %get3A_542 = arith.index_cast %add3A_487 : i32 to index
        %get3A_543 = arith.constant 48 : index
        %get3A_544 = tpu.vector_load %arg7[%get3A_541, %get3A_542, %get3A_543] {strides = array<i32>} : memref<4x200x64xf32, #tpu.memory_space<vmem>>, vector<1x1x16xf32>,
        %get3A_545 = vector.shape_cast %get3A_544 : vector<1x1x16xf32> to vector<16xf32>
        %get3A_546 = arith.index_cast %add3A_487 : i32 to index
        %get3A_547 = arith.constant 48 : index
        %get3A_548 = tpu.vector_load %arg8[%get3A_546, %get3A_547] {strides = array<i32>} : memref<200x64xf32, #tpu.memory_space<vmem>>, vector<1x16xf32>,
        %get3A_549 = vector.shape_cast %get3A_548 : vector<1x16xf32> to vector<16xf32>
        %add3A_550 = arith.addf %get3A_545, %get3A_549 : vector<16xf32>
        %swap3A_551 = arith.constant 0 : i32
        %swap3A_552 = arith.index_cast %swap3A_551 : i32 to index
        %swap3A_553 = arith.index_cast %add3A_487 : i32 to index
        %swap3A_554 = arith.constant 48 : index
        %swap3A_555 = tpu.vector_load %arg7[%swap3A_552, %swap3A_553, %swap3A_554] {strides = array<i32>} : memref<4x200x64xf32, #tpu.memory_space<vmem>>, vector<1x1x16xf32>,
        %swap3A_556 = vector.shape_cast %swap3A_555 : vector<1x1x16xf32> to vector<16xf32>
        %swap3A_557 = vector.shape_cast %add3A_550 : vector<16xf32> to vector<1x1x16xf32>
        tpu.vector_store %arg7[%swap3A_552, %swap3A_553, %swap3A_554], %swap3A_557 {strides = array<i32>} : memref<4x200x64xf32, #tpu.memory_space<vmem>>, vector<1x1x16xf32>,
        %mul3A_558 = arith.constant 2 : i32
        %mul3A_559 = arith.muli %mul3A_558, %scan3A_482 : i32
        %add3A_560 = arith.constant 1 : i32
        %add3A_561 = arith.addi %mul3A_559, %add3A_560 : i32
        %get3A_562 = arith.constant 0 : i32
        %get3A_563 = arith.index_cast %get3A_562 : i32 to index
        %get3A_564 = arith.index_cast %add3A_561 : i32 to index
        %get3A_565 = arith.constant 0 : index
        %get3A_566 = tpu.vector_load %arg7[%get3A_563, %get3A_564, %get3A_565] {strides = array<i32>} : memref<4x200x64xf32, #tpu.memory_space<vmem>>, vector<1x1x16xf32>,
        %get3A_567 = vector.shape_cast %get3A_566 : vector<1x1x16xf32> to vector<16xf32>
        %get3A_568 = arith.index_cast %add3A_561 : i32 to index
        %get3A_569 = arith.constant 0 : index
        %get3A_570 = tpu.vector_load %arg8[%get3A_568, %get3A_569] {strides = array<i32>} : memref<200x64xf32, #tpu.memory_space<vmem>>, vector<1x16xf32>,
        %get3A_571 = vector.shape_cast %get3A_570 : vector<1x16xf32> to vector<16xf32>
        %add3A_572 = arith.addf %get3A_567, %get3A_571 : vector<16xf32>
        %swap3A_573 = arith.constant 0 : i32
        %swap3A_574 = arith.index_cast %swap3A_573 : i32 to index
        %swap3A_575 = arith.index_cast %add3A_561 : i32 to index
        %swap3A_576 = arith.constant 0 : index
        %swap3A_577 = tpu.vector_load %arg7[%swap3A_574, %swap3A_575, %swap3A_576] {strides = array<i32>} : memref<4x200x64xf32, #tpu.memory_space<vmem>>, vector<1x1x16xf32>,
        %swap3A_578 = vector.shape_cast %swap3A_577 : vector<1x1x16xf32> to vector<16xf32>
        %swap3A_579 = vector.shape_cast %add3A_572 : vector<16xf32> to vector<1x1x16xf32>
        tpu.vector_store %arg7[%swap3A_574, %swap3A_575, %swap3A_576], %swap3A_579 {strides = array<i32>} : memref<4x200x64xf32, #tpu.memory_space<vmem>>, vector<1x1x16xf32>,
        %get3A_580 = arith.constant 0 : i32
        %get3A_581 = arith.index_cast %get3A_580 : i32 to index
        %get3A_582 = arith.index_cast %add3A_561 : i32 to index
        %get3A_583 = arith.constant 16 : index
        %get3A_584 = tpu.vector_load %arg7[%get3A_581, %get3A_582, %get3A_583] {strides = array<i32>} : memref<4x200x64xf32, #tpu.memory_space<vmem>>, vector<1x1x16xf32>,
        %get3A_585 = vector.shape_cast %get3A_584 : vector<1x1x16xf32> to vector<16xf32>
        %get3A_586 = arith.index_cast %add3A_561 : i32 to index
        %get3A_587 = arith.constant 16 : index
        %get3A_588 = tpu.vector_load %arg8[%get3A_586, %get3A_587] {strides = array<i32>} : memref<200x64xf32, #tpu.memory_space<vmem>>, vector<1x16xf32>,
        %get3A_589 = vector.shape_cast %get3A_588 : vector<1x16xf32> to vector<16xf32>
        %add3A_590 = arith.addf %get3A_585, %get3A_589 : vector<16xf32>
        %swap3A_591 = arith.constant 0 : i32
        %swap3A_592 = arith.index_cast %swap3A_591 : i32 to index
        %swap3A_593 = arith.index_cast %add3A_561 : i32 to index
        %swap3A_594 = arith.constant 16 : index
        %swap3A_595 = tpu.vector_load %arg7[%swap3A_592, %swap3A_593, %swap3A_594] {strides = array<i32>} : memref<4x200x64xf32, #tpu.memory_space<vmem>>, vector<1x1x16xf32>,
        %swap3A_596 = vector.shape_cast %swap3A_595 : vector<1x1x16xf32> to vector<16xf32>
        %swap3A_597 = vector.shape_cast %add3A_590 : vector<16xf32> to vector<1x1x16xf32>
        tpu.vector_store %arg7[%swap3A_592, %swap3A_593, %swap3A_594], %swap3A_597 {strides = array<i32>} : memref<4x200x64xf32, #tpu.memory_space<vmem>>, vector<1x1x16xf32>,
        %get3A_598 = arith.constant 0 : i32
        %get3A_599 = arith.index_cast %get3A_598 : i32 to index
        %get3A_600 = arith.index_cast %add3A_561 : i32 to index
        %get3A_601 = arith.constant 32 : index
        %get3A_602 = tpu.vector_load %arg7[%get3A_599, %get3A_600, %get3A_601] {strides = array<i32>} : memref<4x200x64xf32, #tpu.memory_space<vmem>>, vector<1x1x16xf32>,
        %get3A_603 = vector.shape_cast %get3A_602 : vector<1x1x16xf32> to vector<16xf32>
        %get3A_604 = arith.index_cast %add3A_561 : i32 to index
        %get3A_605 = arith.constant 32 : index
        %get3A_606 = tpu.vector_load %arg8[%get3A_604, %get3A_605] {strides = array<i32>} : memref<200x64xf32, #tpu.memory_space<vmem>>, vector<1x16xf32>,
        %get3A_607 = vector.shape_cast %get3A_606 : vector<1x16xf32> to vector<16xf32>
        %add3A_608 = arith.addf %get3A_603, %get3A_607 : vector<16xf32>
        %swap3A_609 = arith.constant 0 : i32
        %swap3A_610 = arith.index_cast %swap3A_609 : i32 to index
        %swap3A_611 = arith.index_cast %add3A_561 : i32 to index
        %swap3A_612 = arith.constant 32 : index
        %swap3A_613 = tpu.vector_load %arg7[%swap3A_610, %swap3A_611, %swap3A_612] {strides = array<i32>} : memref<4x200x64xf32, #tpu.memory_space<vmem>>, vector<1x1x16xf32>,
        %swap3A_614 = vector.shape_cast %swap3A_613 : vector<1x1x16xf32> to vector<16xf32>
        %swap3A_615 = vector.shape_cast %add3A_608 : vector<16xf32> to vector<1x1x16xf32>
        tpu.vector_store %arg7[%swap3A_610, %swap3A_611, %swap3A_612], %swap3A_615 {strides = array<i32>} : memref<4x200x64xf32, #tpu.memory_space<vmem>>, vector<1x1x16xf32>,
        %get3A_616 = arith.constant 0 : i32
        %get3A_617 = arith.index_cast %get3A_616 : i32 to index
        %get3A_618 = arith.index_cast %add3A_561 : i32 to index
        %get3A_619 = arith.constant 48 : index
        %get3A_620 = tpu.vector_load %arg7[%get3A_617, %get3A_618, %get3A_619] {strides = array<i32>} : memref<4x200x64xf32, #tpu.memory_space<vmem>>, vector<1x1x16xf32>,
        %get3A_621 = vector.shape_cast %get3A_620 : vector<1x1x16xf32> to vector<16xf32>
        %get3A_622 = arith.index_cast %add3A_561 : i32 to index
        %get3A_623 = arith.constant 48 : index
        %get3A_624 = tpu.vector_load %arg8[%get3A_622, %get3A_623] {strides = array<i32>} : memref<200x64xf32, #tpu.memory_space<vmem>>, vector<1x16xf32>,
        %get3A_625 = vector.shape_cast %get3A_624 : vector<1x16xf32> to vector<16xf32>
        %add3A_626 = arith.addf %get3A_621, %get3A_625 : vector<16xf32>
        %swap3A_627 = arith.constant 0 : i32
        %swap3A_628 = arith.index_cast %swap3A_627 : i32 to index
        %swap3A_629 = arith.index_cast %add3A_561 : i32 to index
        %swap3A_630 = arith.constant 48 : index
        %swap3A_631 = tpu.vector_load %arg7[%swap3A_628, %swap3A_629, %swap3A_630] {strides = array<i32>} : memref<4x200x64xf32, #tpu.memory_space<vmem>>, vector<1x1x16xf32>,
        %swap3A_632 = vector.shape_cast %swap3A_631 : vector<1x1x16xf32> to vector<16xf32>
        %swap3A_633 = vector.shape_cast %add3A_626 : vector<16xf32> to vector<1x1x16xf32>
        tpu.vector_store %arg7[%swap3A_628, %swap3A_629, %swap3A_630], %swap3A_633 {strides = array<i32>} : memref<4x200x64xf32, #tpu.memory_space<vmem>>, vector<1x1x16xf32>,
        %scan3A_634 = arith.constant 0 : i32
        scf.yield %scan3A_634 : i32
      }
      %scan3A_228 = arith.constant 100 : i32
      %add3A_229 = arith.addi %mul3A_2, %add3A_182 : i32
      %dma_start3A_230 = arith.constant 0 : i32
      %dma_start3A_231 = arith.constant 0 : i32
      %dma_start3A_232 = arith.constant 0 : i32
      %dma_start3A_233 = arith.constant 0 : i32
      %dma_start3A_234 = tpu.memref_slice %arg7[%dma_start3A_230, %dma_start3A_232, %dma_start3A_233] : memref<4x200x64xf32, #tpu.memory_space<vmem>> -> memref<1x200x64xf32, #tpu.memory_space<vmem>>
      %dma_start3A_235 = tpu.memref_squeeze %dma_start3A_234 : memref<1x200x64xf32, #tpu.memory_space<vmem>> -> memref<200x64xf32, #tpu.memory_space<vmem>>
      %dma_start3A_236 = arith.constant 0 : i32
      %dma_start3A_237 = arith.constant 0 : i32
      %dma_start3A_238 = tpu.memref_slice %arg5[%add3A_229, %dma_start3A_236, %dma_start3A_237] : memref<4096x200x64xf32, #tpu.memory_space<hbm>> -> memref<1x200x64xf32, #tpu.memory_space<hbm>>
      %dma_start3A_239 = tpu.memref_squeeze %dma_start3A_238 : memref<1x200x64xf32, #tpu.memory_space<hbm>> -> memref<200x64xf32, #tpu.memory_space<hbm>>
      %dma_start3A_240 = tpu.memref_slice %arg10[%dma_start3A_231] : memref<4x!tpu.dma_semaphore, #tpu.memory_space<semaphore_mem>> -> memref<1x!tpu.dma_semaphore, #tpu.memory_space<semaphore_mem>>
      %dma_start3A_241 = tpu.memref_squeeze %dma_start3A_240 : memref<1x!tpu.dma_semaphore, #tpu.memory_space<semaphore_mem>> -> memref<!tpu.dma_semaphore, #tpu.memory_space<semaphore_mem>>
      %dma_start3A_242 = arith.constant 0 : i32
      %dma_start3A_243 = arith.constant 0 : i32
      %dma_start3A_244 = tpu.memref_slice %arg5[%add3A_229, %dma_start3A_242, %dma_start3A_243] : memref<4096x200x64xf32, #tpu.memory_space<hbm>> -> memref<1x200x64xf32, #tpu.memory_space<hbm>>
      %dma_start3A_245 = tpu.memref_squeeze %dma_start3A_244 : memref<1x200x64xf32, #tpu.memory_space<hbm>> -> memref<200x64xf32, #tpu.memory_space<hbm>>
      %dma_start3A_246 = arith.constant 0 : i32
      %dma_start3A_247 = arith.constant 0 : i32
      %dma_start3A_248 = tpu.memref_slice %arg7[%dma_start3A_230, %dma_start3A_246, %dma_start3A_247] : memref<4x200x64xf32, #tpu.memory_space<vmem>> -> memref<1x200x64xf32, #tpu.memory_space<vmem>>
      %dma_start3A_249 = tpu.memref_squeeze %dma_start3A_248 : memref<1x200x64xf32, #tpu.memory_space<vmem>> -> memref<200x64xf32, #tpu.memory_space<vmem>>
      tpu.enqueue_dma source(%dma_start3A_249 : memref<200x64xf32, #tpu.memory_space<vmem>>) target(%dma_start3A_245 : memref<200x64xf32, #tpu.memory_space<hbm>>) target_semaphore(%dma_start3A_241 : memref<!tpu.dma_semaphore, #tpu.memory_space<semaphore_mem>>)
      %mul3A_250 = arith.constant 4 : i32
      %mul3A_251 = arith.muli %mul3A_250, %scan3A_177 : i32
      %add3A_252 = arith.constant 1 : i32
      %add3A_253 = arith.addi %mul3A_251, %add3A_252 : i32
      %add3A_254 = arith.constant 4 : i32
      %add3A_255 = arith.addi %add3A_253, %add3A_254 : i32
      %sub3A_256 = arith.constant 1 : i32
      %sub3A_257 = arith.subi %add3A_255, %sub3A_256 : i32
      %ge3A_258 = arith.constant 1 : i32
      %ge3A_259 = arith.cmpi sge, %add3A_253, %ge3A_258 : i32
      %lt3A_260 = arith.constant 128 : i32
      %lt3A_261 = arith.cmpi slt, %sub3A_257, %lt3A_260 : i32
      %and3A_262 = arith.andi %ge3A_259, %lt3A_261 : i1
      %convert_element_type3A_263 = arith.extui %and3A_262 : i1 to i32
      %cond3A_264 = arith.constant 0 : i32
      %cond3A_265 = arith.cmpi ne, %convert_element_type3A_263, %cond3A_264 : i32
      scf.if %cond3A_265 {
        %dma_wait3A_482 = arith.constant 0 : i32
        %dma_wait3A_483 = arith.constant 0 : i32
        %dma_wait3A_484 = arith.constant 0 : i32
        %dma_wait3A_485 = arith.constant 0 : i32
        %dma_wait3A_486 = tpu.memref_slice %arg7[%dma_wait3A_482, %dma_wait3A_484, %dma_wait3A_485] : memref<4x200x64xf32, #tpu.memory_space<vmem>> -> memref<1x200x64xf32, #tpu.memory_space<vmem>>
        %dma_wait3A_487 = tpu.memref_squeeze %dma_wait3A_486 : memref<1x200x64xf32, #tpu.memory_space<vmem>> -> memref<200x64xf32, #tpu.memory_space<vmem>>
        %dma_wait3A_488 = arith.constant 0 : i32
        %dma_wait3A_489 = arith.constant 0 : i32
        %dma_wait3A_490 = tpu.memref_slice %arg5[%mul3A_2, %dma_wait3A_488, %dma_wait3A_489] : memref<4096x200x64xf32, #tpu.memory_space<hbm>> -> memref<1x200x64xf32, #tpu.memory_space<hbm>>
        %dma_wait3A_491 = tpu.memref_squeeze %dma_wait3A_490 : memref<1x200x64xf32, #tpu.memory_space<hbm>> -> memref<200x64xf32, #tpu.memory_space<hbm>>
        %dma_wait3A_492 = tpu.memref_slice %arg10[%dma_wait3A_483] : memref<4x!tpu.dma_semaphore, #tpu.memory_space<semaphore_mem>> -> memref<1x!tpu.dma_semaphore, #tpu.memory_space<semaphore_mem>>
        %dma_wait3A_493 = tpu.memref_squeeze %dma_wait3A_492 : memref<1x!tpu.dma_semaphore, #tpu.memory_space<semaphore_mem>> -> memref<!tpu.dma_semaphore, #tpu.memory_space<semaphore_mem>>
        %dma_wait3A_494 = arith.constant 0 : i32
        %dma_wait3A_495 = arith.constant 0 : i32
        %dma_wait3A_496 = tpu.memref_slice %arg5[%mul3A_2, %dma_wait3A_494, %dma_wait3A_495] : memref<4096x200x64xf32, #tpu.memory_space<hbm>> -> memref<1x200x64xf32, #tpu.memory_space<hbm>>
        %dma_wait3A_497 = tpu.memref_squeeze %dma_wait3A_496 : memref<1x200x64xf32, #tpu.memory_space<hbm>> -> memref<200x64xf32, #tpu.memory_space<hbm>>
        %dma_wait3A_498 = arith.constant 0 : i32
        %dma_wait3A_499 = arith.constant 0 : i32
        %dma_wait3A_500 = tpu.memref_slice %arg7[%dma_wait3A_482, %dma_wait3A_498, %dma_wait3A_499] : memref<4x200x64xf32, #tpu.memory_space<vmem>> -> memref<1x200x64xf32, #tpu.memory_space<vmem>>
        %dma_wait3A_501 = tpu.memref_squeeze %dma_wait3A_500 : memref<1x200x64xf32, #tpu.memory_space<vmem>> -> memref<200x64xf32, #tpu.memory_space<vmem>>
        tpu.wait_dma2 semaphore(%dma_wait3A_493 : memref<!tpu.dma_semaphore, #tpu.memory_space<semaphore_mem>>) src(%dma_wait3A_501 : memref<200x64xf32, #tpu.memory_space<vmem>>) dst(%dma_wait3A_497 : memref<200x64xf32, #tpu.memory_space<hbm>>)
      } else {
      }
      %lt3A_266 = arith.constant 128 : i32
      %lt3A_267 = arith.cmpi slt, %sub3A_257, %lt3A_266 : i32
      %convert_element_type3A_268 = arith.extui %lt3A_267 : i1 to i32
      %cond3A_269 = arith.constant 0 : i32
      %cond3A_270 = arith.cmpi ne, %convert_element_type3A_268, %cond3A_269 : i32
      scf.if %cond3A_270 {
        %dma_start3A_482 = arith.constant 0 : i32
        %dma_start3A_483 = arith.constant 0 : i32
        %dma_start3A_484 = arith.constant 0 : i32
        %dma_start3A_485 = arith.constant 0 : i32
        %dma_start3A_486 = tpu.memref_slice %arg7[%dma_start3A_482, %dma_start3A_484, %dma_start3A_485] : memref<4x200x64xf32, #tpu.memory_space<vmem>> -> memref<1x128x64xf32, #tpu.memory_space<vmem>>
        %dma_start3A_487 = tpu.memref_squeeze %dma_start3A_486 : memref<1x128x64xf32, #tpu.memory_space<vmem>> -> memref<128x64xf32, #tpu.memory_space<vmem>>
        %dma_start3A_488 = arith.constant 0 : i32
        %dma_start3A_489 = tpu.memref_slice %arg6[%sub3A_257, %dma_start3A_488] : memref<128x200xi32, #tpu.memory_space<vmem>> -> memref<1x128xi32, #tpu.memory_space<vmem>>
        %dma_start3A_490 = tpu.memref_squeeze %dma_start3A_489 : memref<1x128xi32, #tpu.memory_space<vmem>> -> memref<128xi32, #tpu.memory_space<vmem>>
        %dma_start3A_491 = arith.constant 0 : i32
        %dma_start3A_492 = arith.constant 0 : i32
        %dma_start3A_493 = tpu.memref_slice %arg3[%dma_start3A_491, %dma_start3A_492] : memref<1000000x64xf32, #tpu.memory_space<hbm>> -> memref<1000000x64xf32, #tpu.memory_space<hbm>>
        %dma_start3A_494 = tpu.memref_slice %arg9[%dma_start3A_483] : memref<4x!tpu.dma_semaphore, #tpu.memory_space<semaphore_mem>> -> memref<1x!tpu.dma_semaphore, #tpu.memory_space<semaphore_mem>>
        %dma_start3A_495 = tpu.memref_squeeze %dma_start3A_494 : memref<1x!tpu.dma_semaphore, #tpu.memory_space<semaphore_mem>> -> memref<!tpu.dma_semaphore, #tpu.memory_space<semaphore_mem>>
        tpu.enqueue_indirect_dma source(%dma_start3A_493 : memref<1000000x64xf32, #tpu.memory_space<hbm>>) target(%dma_start3A_487 : memref<128x64xf32, #tpu.memory_space<vmem>>) offsets(%dma_start3A_490 : memref<128xi32, #tpu.memory_space<vmem>>) semaphore(%dma_start3A_495 : memref<!tpu.dma_semaphore, #tpu.memory_space<semaphore_mem>>)
        %dma_start3A_496 = arith.constant 0 : i32
        %dma_start3A_497 = arith.constant 0 : i32
        %dma_start3A_498 = arith.constant 128 : i32
        %dma_start3A_499 = arith.constant 0 : i32
        %dma_start3A_500 = tpu.memref_slice %arg7[%dma_start3A_496, %dma_start3A_498, %dma_start3A_499] : memref<4x200x64xf32, #tpu.memory_space<vmem>> -> memref<1x72x64xf32, #tpu.memory_space<vmem>>
        %dma_start3A_501 = tpu.memref_squeeze %dma_start3A_500 : memref<1x72x64xf32, #tpu.memory_space<vmem>> -> memref<72x64xf32, #tpu.memory_space<vmem>>
        %dma_start3A_502 = arith.constant 128 : i32
        %dma_start3A_503 = tpu.memref_slice %arg6[%sub3A_257, %dma_start3A_502] : memref<128x200xi32, #tpu.memory_space<vmem>> -> memref<1x72xi32, #tpu.memory_space<vmem>>
        %dma_start3A_504 = tpu.memref_squeeze %dma_start3A_503 : memref<1x72xi32, #tpu.memory_space<vmem>> -> memref<72xi32, #tpu.memory_space<vmem>>
        %dma_start3A_505 = arith.constant 0 : i32
        %dma_start3A_506 = arith.constant 0 : i32
        %dma_start3A_507 = tpu.memref_slice %arg3[%dma_start3A_505, %dma_start3A_506] : memref<1000000x64xf32, #tpu.memory_space<hbm>> -> memref<1000000x64xf32, #tpu.memory_space<hbm>>
        %dma_start3A_508 = tpu.memref_slice %arg9[%dma_start3A_497] : memref<4x!tpu.dma_semaphore, #tpu.memory_space<semaphore_mem>> -> memref<1x!tpu.dma_semaphore, #tpu.memory_space<semaphore_mem>>
        %dma_start3A_509 = tpu.memref_squeeze %dma_start3A_508 : memref<1x!tpu.dma_semaphore, #tpu.memory_space<semaphore_mem>> -> memref<!tpu.dma_semaphore, #tpu.memory_space<semaphore_mem>>
        tpu.enqueue_indirect_dma source(%dma_start3A_507 : memref<1000000x64xf32, #tpu.memory_space<hbm>>) target(%dma_start3A_501 : memref<72x64xf32, #tpu.memory_space<vmem>>) offsets(%dma_start3A_504 : memref<72xi32, #tpu.memory_space<vmem>>) semaphore(%dma_start3A_509 : memref<!tpu.dma_semaphore, #tpu.memory_space<semaphore_mem>>)
      } else {
      }
      %dma_wait3A_271 = arith.constant 1 : i32
      %dma_wait3A_272 = arith.constant 1 : i32
      %dma_wait3A_273 = arith.constant 0 : i32
      %dma_wait3A_274 = arith.constant 0 : i32
      %dma_wait3A_275 = tpu.memref_slice %arg7[%dma_wait3A_271, %dma_wait3A_273, %dma_wait3A_274] : memref<4x200x64xf32, #tpu.memory_space<vmem>> -> memref<1x128x64xf32, #tpu.memory_space<vmem>>
      %dma_wait3A_276 = tpu.memref_squeeze %dma_wait3A_275 : memref<1x128x64xf32, #tpu.memory_space<vmem>> -> memref<128x64xf32, #tpu.memory_space<vmem>>
      %dma_wait3A_277 = arith.constant 0 : i32
      %dma_wait3A_278 = tpu.memref_slice %arg6[%add3A_253, %dma_wait3A_277] : memref<128x200xi32, #tpu.memory_space<vmem>> -> memref<1x128xi32, #tpu.memory_space<vmem>>
      %dma_wait3A_279 = tpu.memref_squeeze %dma_wait3A_278 : memref<1x128xi32, #tpu.memory_space<vmem>> -> memref<128xi32, #tpu.memory_space<vmem>>
      %dma_wait3A_280 = arith.constant 0 : i32
      %dma_wait3A_281 = arith.constant 0 : i32
      %dma_wait3A_282 = tpu.memref_slice %arg3[%dma_wait3A_280, %dma_wait3A_281] : memref<1000000x64xf32, #tpu.memory_space<hbm>> -> memref<1000000x64xf32, #tpu.memory_space<hbm>>
      %dma_wait3A_283 = tpu.memref_slice %arg9[%dma_wait3A_272] : memref<4x!tpu.dma_semaphore, #tpu.memory_space<semaphore_mem>> -> memref<1x!tpu.dma_semaphore, #tpu.memory_space<semaphore_mem>>
      %dma_wait3A_284 = tpu.memref_squeeze %dma_wait3A_283 : memref<1x!tpu.dma_semaphore, #tpu.memory_space<semaphore_mem>> -> memref<!tpu.dma_semaphore, #tpu.memory_space<semaphore_mem>>
      tpu.wait_indirect_dma semaphore(%dma_wait3A_284 : memref<!tpu.dma_semaphore, #tpu.memory_space<semaphore_mem>>) src(%dma_wait3A_282 : memref<1000000x64xf32, #tpu.memory_space<hbm>>) dst(%dma_wait3A_276 : memref<128x64xf32, #tpu.memory_space<vmem>>)
      %dma_wait3A_285 = arith.constant 1 : i32
      %dma_wait3A_286 = arith.constant 1 : i32
      %dma_wait3A_287 = arith.constant 128 : i32
      %dma_wait3A_288 = arith.constant 0 : i32
      %dma_wait3A_289 = tpu.memref_slice %arg7[%dma_wait3A_285, %dma_wait3A_287, %dma_wait3A_288] : memref<4x200x64xf32, #tpu.memory_space<vmem>> -> memref<1x72x64xf32, #tpu.memory_space<vmem>>
      %dma_wait3A_290 = tpu.memref_squeeze %dma_wait3A_289 : memref<1x72x64xf32, #tpu.memory_space<vmem>> -> memref<72x64xf32, #tpu.memory_space<vmem>>
      %dma_wait3A_291 = arith.constant 128 : i32
      %dma_wait3A_292 = tpu.memref_slice %arg6[%add3A_253, %dma_wait3A_291] : memref<128x200xi32, #tpu.memory_space<vmem>> -> memref<1x72xi32, #tpu.memory_space<vmem>>
      %dma_wait3A_293 = tpu.memref_squeeze %dma_wait3A_292 : memref<1x72xi32, #tpu.memory_space<vmem>> -> memref<72xi32, #tpu.memory_space<vmem>>
      %dma_wait3A_294 = arith.constant 0 : i32
      %dma_wait3A_295 = arith.constant 0 : i32
      %dma_wait3A_296 = tpu.memref_slice %arg3[%dma_wait3A_294, %dma_wait3A_295] : memref<1000000x64xf32, #tpu.memory_space<hbm>> -> memref<1000000x64xf32, #tpu.memory_space<hbm>>
      %dma_wait3A_297 = tpu.memref_slice %arg9[%dma_wait3A_286] : memref<4x!tpu.dma_semaphore, #tpu.memory_space<semaphore_mem>> -> memref<1x!tpu.dma_semaphore, #tpu.memory_space<semaphore_mem>>
      %dma_wait3A_298 = tpu.memref_squeeze %dma_wait3A_297 : memref<1x!tpu.dma_semaphore, #tpu.memory_space<semaphore_mem>> -> memref<!tpu.dma_semaphore, #tpu.memory_space<semaphore_mem>>
      tpu.wait_indirect_dma semaphore(%dma_wait3A_298 : memref<!tpu.dma_semaphore, #tpu.memory_space<semaphore_mem>>) src(%dma_wait3A_296 : memref<1000000x64xf32, #tpu.memory_space<hbm>>) dst(%dma_wait3A_290 : memref<72x64xf32, #tpu.memory_space<vmem>>)
      %scan3A_299 = arith.constant 0 : i32
      %scan3A_300 = arith.constant 0 : i32
      %scan3A_301 = arith.constant 100 : i32
      %scan3A_302 = arith.addi %scan3A_300, %scan3A_301 : i32
      %scan3A_303 = arith.constant 1 : i32
      %scan3A_304 = scf.for %scan3A_482 = %scan3A_300 to %scan3A_302 step %scan3A_303 iter_args(%scan3A_483 = %scan3A_299) -> (i32)  : i32 {
        %mul3A_484 = arith.constant 2 : i32
        %mul3A_485 = arith.muli %mul3A_484, %scan3A_482 : i32
        %add3A_486 = arith.constant 0 : i32
        %add3A_487 = arith.addi %mul3A_485, %add3A_486 : i32
        %get3A = arith.constant 1 : i32
        %get3A_488 = arith.index_cast %get3A : i32 to index
        %get3A_489 = arith.index_cast %add3A_487 : i32 to index
        %get3A_490 = arith.constant 0 : index
        %get3A_491 = tpu.vector_load %arg7[%get3A_488, %get3A_489, %get3A_490] {strides = array<i32>} : memref<4x200x64xf32, #tpu.memory_space<vmem>>, vector<1x1x16xf32>,
        %get3A_492 = vector.shape_cast %get3A_491 : vector<1x1x16xf32> to vector<16xf32>
        %get3A_493 = arith.index_cast %add3A_487 : i32 to index
        %get3A_494 = arith.constant 0 : index
        %get3A_495 = tpu.vector_load %arg8[%get3A_493, %get3A_494] {strides = array<i32>} : memref<200x64xf32, #tpu.memory_space<vmem>>, vector<1x16xf32>,
        %get3A_496 = vector.shape_cast %get3A_495 : vector<1x16xf32> to vector<16xf32>
        %add3A_497 = arith.addf %get3A_492, %get3A_496 : vector<16xf32>
        %swap3A = arith.constant 1 : i32
        %swap3A_498 = arith.index_cast %swap3A : i32 to index
        %swap3A_499 = arith.index_cast %add3A_487 : i32 to index
        %swap3A_500 = arith.constant 0 : index
        %swap3A_501 = tpu.vector_load %arg7[%swap3A_498, %swap3A_499, %swap3A_500] {strides = array<i32>} : memref<4x200x64xf32, #tpu.memory_space<vmem>>, vector<1x1x16xf32>,
        %swap3A_502 = vector.shape_cast %swap3A_501 : vector<1x1x16xf32> to vector<16xf32>
        %swap3A_503 = vector.shape_cast %add3A_497 : vector<16xf32> to vector<1x1x16xf32>
        tpu.vector_store %arg7[%swap3A_498, %swap3A_499, %swap3A_500], %swap3A_503 {strides = array<i32>} : memref<4x200x64xf32, #tpu.memory_space<vmem>>, vector<1x1x16xf32>,
        %get3A_504 = arith.constant 1 : i32
        %get3A_505 = arith.index_cast %get3A_504 : i32 to index
        %get3A_506 = arith.index_cast %add3A_487 : i32 to index
        %get3A_507 = arith.constant 16 : index
        %get3A_508 = tpu.vector_load %arg7[%get3A_505, %get3A_506, %get3A_507] {strides = array<i32>} : memref<4x200x64xf32, #tpu.memory_space<vmem>>, vector<1x1x16xf32>,
        %get3A_509 = vector.shape_cast %get3A_508 : vector<1x1x16xf32> to vector<16xf32>
        %get3A_510 = arith.index_cast %add3A_487 : i32 to index
        %get3A_511 = arith.constant 16 : index
        %get3A_512 = tpu.vector_load %arg8[%get3A_510, %get3A_511] {strides = array<i32>} : memref<200x64xf32, #tpu.memory_space<vmem>>, vector<1x16xf32>,
        %get3A_513 = vector.shape_cast %get3A_512 : vector<1x16xf32> to vector<16xf32>
        %add3A_514 = arith.addf %get3A_509, %get3A_513 : vector<16xf32>
        %swap3A_515 = arith.constant 1 : i32
        %swap3A_516 = arith.index_cast %swap3A_515 : i32 to index
        %swap3A_517 = arith.index_cast %add3A_487 : i32 to index
        %swap3A_518 = arith.constant 16 : index
        %swap3A_519 = tpu.vector_load %arg7[%swap3A_516, %swap3A_517, %swap3A_518] {strides = array<i32>} : memref<4x200x64xf32, #tpu.memory_space<vmem>>, vector<1x1x16xf32>,
        %swap3A_520 = vector.shape_cast %swap3A_519 : vector<1x1x16xf32> to vector<16xf32>
        %swap3A_521 = vector.shape_cast %add3A_514 : vector<16xf32> to vector<1x1x16xf32>
        tpu.vector_store %arg7[%swap3A_516, %swap3A_517, %swap3A_518], %swap3A_521 {strides = array<i32>} : memref<4x200x64xf32, #tpu.memory_space<vmem>>, vector<1x1x16xf32>,
        %get3A_522 = arith.constant 1 : i32
        %get3A_523 = arith.index_cast %get3A_522 : i32 to index
        %get3A_524 = arith.index_cast %add3A_487 : i32 to index
        %get3A_525 = arith.constant 32 : index
        %get3A_526 = tpu.vector_load %arg7[%get3A_523, %get3A_524, %get3A_525] {strides = array<i32>} : memref<4x200x64xf32, #tpu.memory_space<vmem>>, vector<1x1x16xf32>,
        %get3A_527 = vector.shape_cast %get3A_526 : vector<1x1x16xf32> to vector<16xf32>
        %get3A_528 = arith.index_cast %add3A_487 : i32 to index
        %get3A_529 = arith.constant 32 : index
        %get3A_530 = tpu.vector_load %arg8[%get3A_528, %get3A_529] {strides = array<i32>} : memref<200x64xf32, #tpu.memory_space<vmem>>, vector<1x16xf32>,
        %get3A_531 = vector.shape_cast %get3A_530 : vector<1x16xf32> to vector<16xf32>
        %add3A_532 = arith.addf %get3A_527, %get3A_531 : vector<16xf32>
        %swap3A_533 = arith.constant 1 : i32
        %swap3A_534 = arith.index_cast %swap3A_533 : i32 to index
        %swap3A_535 = arith.index_cast %add3A_487 : i32 to index
        %swap3A_536 = arith.constant 32 : index
        %swap3A_537 = tpu.vector_load %arg7[%swap3A_534, %swap3A_535, %swap3A_536] {strides = array<i32>} : memref<4x200x64xf32, #tpu.memory_space<vmem>>, vector<1x1x16xf32>,
        %swap3A_538 = vector.shape_cast %swap3A_537 : vector<1x1x16xf32> to vector<16xf32>
        %swap3A_539 = vector.shape_cast %add3A_532 : vector<16xf32> to vector<1x1x16xf32>
        tpu.vector_store %arg7[%swap3A_534, %swap3A_535, %swap3A_536], %swap3A_539 {strides = array<i32>} : memref<4x200x64xf32, #tpu.memory_space<vmem>>, vector<1x1x16xf32>,
        %get3A_540 = arith.constant 1 : i32
        %get3A_541 = arith.index_cast %get3A_540 : i32 to index
        %get3A_542 = arith.index_cast %add3A_487 : i32 to index
        %get3A_543 = arith.constant 48 : index
        %get3A_544 = tpu.vector_load %arg7[%get3A_541, %get3A_542, %get3A_543] {strides = array<i32>} : memref<4x200x64xf32, #tpu.memory_space<vmem>>, vector<1x1x16xf32>,
        %get3A_545 = vector.shape_cast %get3A_544 : vector<1x1x16xf32> to vector<16xf32>
        %get3A_546 = arith.index_cast %add3A_487 : i32 to index
        %get3A_547 = arith.constant 48 : index
        %get3A_548 = tpu.vector_load %arg8[%get3A_546, %get3A_547] {strides = array<i32>} : memref<200x64xf32, #tpu.memory_space<vmem>>, vector<1x16xf32>,
        %get3A_549 = vector.shape_cast %get3A_548 : vector<1x16xf32> to vector<16xf32>
        %add3A_550 = arith.addf %get3A_545, %get3A_549 : vector<16xf32>
        %swap3A_551 = arith.constant 1 : i32
        %swap3A_552 = arith.index_cast %swap3A_551 : i32 to index
        %swap3A_553 = arith.index_cast %add3A_487 : i32 to index
        %swap3A_554 = arith.constant 48 : index
        %swap3A_555 = tpu.vector_load %arg7[%swap3A_552, %swap3A_553, %swap3A_554] {strides = array<i32>} : memref<4x200x64xf32, #tpu.memory_space<vmem>>, vector<1x1x16xf32>,
        %swap3A_556 = vector.shape_cast %swap3A_555 : vector<1x1x16xf32> to vector<16xf32>
        %swap3A_557 = vector.shape_cast %add3A_550 : vector<16xf32> to vector<1x1x16xf32>
        tpu.vector_store %arg7[%swap3A_552, %swap3A_553, %swap3A_554], %swap3A_557 {strides = array<i32>} : memref<4x200x64xf32, #tpu.memory_space<vmem>>, vector<1x1x16xf32>,
        %mul3A_558 = arith.constant 2 : i32
        %mul3A_559 = arith.muli %mul3A_558, %scan3A_482 : i32
        %add3A_560 = arith.constant 1 : i32
        %add3A_561 = arith.addi %mul3A_559, %add3A_560 : i32
        %get3A_562 = arith.constant 1 : i32
        %get3A_563 = arith.index_cast %get3A_562 : i32 to index
        %get3A_564 = arith.index_cast %add3A_561 : i32 to index
        %get3A_565 = arith.constant 0 : index
        %get3A_566 = tpu.vector_load %arg7[%get3A_563, %get3A_564, %get3A_565] {strides = array<i32>} : memref<4x200x64xf32, #tpu.memory_space<vmem>>, vector<1x1x16xf32>,
        %get3A_567 = vector.shape_cast %get3A_566 : vector<1x1x16xf32> to vector<16xf32>
        %get3A_568 = arith.index_cast %add3A_561 : i32 to index
        %get3A_569 = arith.constant 0 : index
        %get3A_570 = tpu.vector_load %arg8[%get3A_568, %get3A_569] {strides = array<i32>} : memref<200x64xf32, #tpu.memory_space<vmem>>, vector<1x16xf32>,
        %get3A_571 = vector.shape_cast %get3A_570 : vector<1x16xf32> to vector<16xf32>
        %add3A_572 = arith.addf %get3A_567, %get3A_571 : vector<16xf32>
        %swap3A_573 = arith.constant 1 : i32
        %swap3A_574 = arith.index_cast %swap3A_573 : i32 to index
        %swap3A_575 = arith.index_cast %add3A_561 : i32 to index
        %swap3A_576 = arith.constant 0 : index
        %swap3A_577 = tpu.vector_load %arg7[%swap3A_574, %swap3A_575, %swap3A_576] {strides = array<i32>} : memref<4x200x64xf32, #tpu.memory_space<vmem>>, vector<1x1x16xf32>,
        %swap3A_578 = vector.shape_cast %swap3A_577 : vector<1x1x16xf32> to vector<16xf32>
        %swap3A_579 = vector.shape_cast %add3A_572 : vector<16xf32> to vector<1x1x16xf32>
        tpu.vector_store %arg7[%swap3A_574, %swap3A_575, %swap3A_576], %swap3A_579 {strides = array<i32>} : memref<4x200x64xf32, #tpu.memory_space<vmem>>, vector<1x1x16xf32>,
        %get3A_580 = arith.constant 1 : i32
        %get3A_581 = arith.index_cast %get3A_580 : i32 to index
        %get3A_582 = arith.index_cast %add3A_561 : i32 to index
        %get3A_583 = arith.constant 16 : index
        %get3A_584 = tpu.vector_load %arg7[%get3A_581, %get3A_582, %get3A_583] {strides = array<i32>} : memref<4x200x64xf32, #tpu.memory_space<vmem>>, vector<1x1x16xf32>,
        %get3A_585 = vector.shape_cast %get3A_584 : vector<1x1x16xf32> to vector<16xf32>
        %get3A_586 = arith.index_cast %add3A_561 : i32 to index
        %get3A_587 = arith.constant 16 : index
        %get3A_588 = tpu.vector_load %arg8[%get3A_586, %get3A_587] {strides = array<i32>} : memref<200x64xf32, #tpu.memory_space<vmem>>, vector<1x16xf32>,
        %get3A_589 = vector.shape_cast %get3A_588 : vector<1x16xf32> to vector<16xf32>
        %add3A_590 = arith.addf %get3A_585, %get3A_589 : vector<16xf32>
        %swap3A_591 = arith.constant 1 : i32
        %swap3A_592 = arith.index_cast %swap3A_591 : i32 to index
        %swap3A_593 = arith.index_cast %add3A_561 : i32 to index
        %swap3A_594 = arith.constant 16 : index
        %swap3A_595 = tpu.vector_load %arg7[%swap3A_592, %swap3A_593, %swap3A_594] {strides = array<i32>} : memref<4x200x64xf32, #tpu.memory_space<vmem>>, vector<1x1x16xf32>,
        %swap3A_596 = vector.shape_cast %swap3A_595 : vector<1x1x16xf32> to vector<16xf32>
        %swap3A_597 = vector.shape_cast %add3A_590 : vector<16xf32> to vector<1x1x16xf32>
        tpu.vector_store %arg7[%swap3A_592, %swap3A_593, %swap3A_594], %swap3A_597 {strides = array<i32>} : memref<4x200x64xf32, #tpu.memory_space<vmem>>, vector<1x1x16xf32>,
        %get3A_598 = arith.constant 1 : i32
        %get3A_599 = arith.index_cast %get3A_598 : i32 to index
        %get3A_600 = arith.index_cast %add3A_561 : i32 to index
        %get3A_601 = arith.constant 32 : index
        %get3A_602 = tpu.vector_load %arg7[%get3A_599, %get3A_600, %get3A_601] {strides = array<i32>} : memref<4x200x64xf32, #tpu.memory_space<vmem>>, vector<1x1x16xf32>,
        %get3A_603 = vector.shape_cast %get3A_602 : vector<1x1x16xf32> to vector<16xf32>
        %get3A_604 = arith.index_cast %add3A_561 : i32 to index
        %get3A_605 = arith.constant 32 : index
        %get3A_606 = tpu.vector_load %arg8[%get3A_604, %get3A_605] {strides = array<i32>} : memref<200x64xf32, #tpu.memory_space<vmem>>, vector<1x16xf32>,
        %get3A_607 = vector.shape_cast %get3A_606 : vector<1x16xf32> to vector<16xf32>
        %add3A_608 = arith.addf %get3A_603, %get3A_607 : vector<16xf32>
        %swap3A_609 = arith.constant 1 : i32
        %swap3A_610 = arith.index_cast %swap3A_609 : i32 to index
        %swap3A_611 = arith.index_cast %add3A_561 : i32 to index
        %swap3A_612 = arith.constant 32 : index
        %swap3A_613 = tpu.vector_load %arg7[%swap3A_610, %swap3A_611, %swap3A_612] {strides = array<i32>} : memref<4x200x64xf32, #tpu.memory_space<vmem>>, vector<1x1x16xf32>,
        %swap3A_614 = vector.shape_cast %swap3A_613 : vector<1x1x16xf32> to vector<16xf32>
        %swap3A_615 = vector.shape_cast %add3A_608 : vector<16xf32> to vector<1x1x16xf32>
        tpu.vector_store %arg7[%swap3A_610, %swap3A_611, %swap3A_612], %swap3A_615 {strides = array<i32>} : memref<4x200x64xf32, #tpu.memory_space<vmem>>, vector<1x1x16xf32>,
        %get3A_616 = arith.constant 1 : i32
        %get3A_617 = arith.index_cast %get3A_616 : i32 to index
        %get3A_618 = arith.index_cast %add3A_561 : i32 to index
        %get3A_619 = arith.constant 48 : index
        %get3A_620 = tpu.vector_load %arg7[%get3A_617, %get3A_618, %get3A_619] {strides = array<i32>} : memref<4x200x64xf32, #tpu.memory_space<vmem>>, vector<1x1x16xf32>,
        %get3A_621 = vector.shape_cast %get3A_620 : vector<1x1x16xf32> to vector<16xf32>
        %get3A_622 = arith.index_cast %add3A_561 : i32 to index
        %get3A_623 = arith.constant 48 : index
        %get3A_624 = tpu.vector_load %arg8[%get3A_622, %get3A_623] {strides = array<i32>} : memref<200x64xf32, #tpu.memory_space<vmem>>, vector<1x16xf32>,
        %get3A_625 = vector.shape_cast %get3A_624 : vector<1x16xf32> to vector<16xf32>
        %add3A_626 = arith.addf %get3A_621, %get3A_625 : vector<16xf32>
        %swap3A_627 = arith.constant 1 : i32
        %swap3A_628 = arith.index_cast %swap3A_627 : i32 to index
        %swap3A_629 = arith.index_cast %add3A_561 : i32 to index
        %swap3A_630 = arith.constant 48 : index
        %swap3A_631 = tpu.vector_load %arg7[%swap3A_628, %swap3A_629, %swap3A_630] {strides = array<i32>} : memref<4x200x64xf32, #tpu.memory_space<vmem>>, vector<1x1x16xf32>,
        %swap3A_632 = vector.shape_cast %swap3A_631 : vector<1x1x16xf32> to vector<16xf32>
        %swap3A_633 = vector.shape_cast %add3A_626 : vector<16xf32> to vector<1x1x16xf32>
        tpu.vector_store %arg7[%swap3A_628, %swap3A_629, %swap3A_630], %swap3A_633 {strides = array<i32>} : memref<4x200x64xf32, #tpu.memory_space<vmem>>, vector<1x1x16xf32>,
        %scan3A_634 = arith.constant 0 : i32
        scf.yield %scan3A_634 : i32
      }
      %scan3A_305 = arith.constant 100 : i32
      %add3A_306 = arith.addi %mul3A_2, %add3A_253 : i32
      %dma_start3A_307 = arith.constant 1 : i32
      %dma_start3A_308 = arith.constant 1 : i32
      %dma_start3A_309 = arith.constant 0 : i32
      %dma_start3A_310 = arith.constant 0 : i32
      %dma_start3A_311 = tpu.memref_slice %arg7[%dma_start3A_307, %dma_start3A_309, %dma_start3A_310] : memref<4x200x64xf32, #tpu.memory_space<vmem>> -> memref<1x200x64xf32, #tpu.memory_space<vmem>>
      %dma_start3A_312 = tpu.memref_squeeze %dma_start3A_311 : memref<1x200x64xf32, #tpu.memory_space<vmem>> -> memref<200x64xf32, #tpu.memory_space<vmem>>
      %dma_start3A_313 = arith.constant 0 : i32
      %dma_start3A_314 = arith.constant 0 : i32
      %dma_start3A_315 = tpu.memref_slice %arg5[%add3A_306, %dma_start3A_313, %dma_start3A_314] : memref<4096x200x64xf32, #tpu.memory_space<hbm>> -> memref<1x200x64xf32, #tpu.memory_space<hbm>>
      %dma_start3A_316 = tpu.memref_squeeze %dma_start3A_315 : memref<1x200x64xf32, #tpu.memory_space<hbm>> -> memref<200x64xf32, #tpu.memory_space<hbm>>
      %dma_start3A_317 = tpu.memref_slice %arg10[%dma_start3A_308] : memref<4x!tpu.dma_semaphore, #tpu.memory_space<semaphore_mem>> -> memref<1x!tpu.dma_semaphore, #tpu.memory_space<semaphore_mem>>
      %dma_start3A_318 = tpu.memref_squeeze %dma_start3A_317 : memref<1x!tpu.dma_semaphore, #tpu.memory_space<semaphore_mem>> -> memref<!tpu.dma_semaphore, #tpu.memory_space<semaphore_mem>>
      %dma_start3A_319 = arith.constant 0 : i32
      %dma_start3A_320 = arith.constant 0 : i32
      %dma_start3A_321 = tpu.memref_slice %arg5[%add3A_306, %dma_start3A_319, %dma_start3A_320] : memref<4096x200x64xf32, #tpu.memory_space<hbm>> -> memref<1x200x64xf32, #tpu.memory_space<hbm>>
      %dma_start3A_322 = tpu.memref_squeeze %dma_start3A_321 : memref<1x200x64xf32, #tpu.memory_space<hbm>> -> memref<200x64xf32, #tpu.memory_space<hbm>>
      %dma_start3A_323 = arith.constant 0 : i32
      %dma_start3A_324 = arith.constant 0 : i32
      %dma_start3A_325 = tpu.memref_slice %arg7[%dma_start3A_307, %dma_start3A_323, %dma_start3A_324] : memref<4x200x64xf32, #tpu.memory_space<vmem>> -> memref<1x200x64xf32, #tpu.memory_space<vmem>>
      %dma_start3A_326 = tpu.memref_squeeze %dma_start3A_325 : memref<1x200x64xf32, #tpu.memory_space<vmem>> -> memref<200x64xf32, #tpu.memory_space<vmem>>
      tpu.enqueue_dma source(%dma_start3A_326 : memref<200x64xf32, #tpu.memory_space<vmem>>) target(%dma_start3A_322 : memref<200x64xf32, #tpu.memory_space<hbm>>) target_semaphore(%dma_start3A_318 : memref<!tpu.dma_semaphore, #tpu.memory_space<semaphore_mem>>)
      %mul3A_327 = arith.constant 4 : i32
      %mul3A_328 = arith.muli %mul3A_327, %scan3A_177 : i32
      %add3A_329 = arith.constant 2 : i32
      %add3A_330 = arith.addi %mul3A_328, %add3A_329 : i32
      %add3A_331 = arith.constant 4 : i32
      %add3A_332 = arith.addi %add3A_330, %add3A_331 : i32
      %sub3A_333 = arith.constant 1 : i32
      %sub3A_334 = arith.subi %add3A_332, %sub3A_333 : i32
      %ge3A_335 = arith.constant 1 : i32
      %ge3A_336 = arith.cmpi sge, %add3A_330, %ge3A_335 : i32
      %lt3A_337 = arith.constant 128 : i32
      %lt3A_338 = arith.cmpi slt, %sub3A_334, %lt3A_337 : i32
      %and3A_339 = arith.andi %ge3A_336, %lt3A_338 : i1
      %convert_element_type3A_340 = arith.extui %and3A_339 : i1 to i32
      %cond3A_341 = arith.constant 0 : i32
      %cond3A_342 = arith.cmpi ne, %convert_element_type3A_340, %cond3A_341 : i32
      scf.if %cond3A_342 {
        %dma_wait3A_482 = arith.constant 1 : i32
        %dma_wait3A_483 = arith.constant 1 : i32
        %dma_wait3A_484 = arith.constant 0 : i32
        %dma_wait3A_485 = arith.constant 0 : i32
        %dma_wait3A_486 = tpu.memref_slice %arg7[%dma_wait3A_482, %dma_wait3A_484, %dma_wait3A_485] : memref<4x200x64xf32, #tpu.memory_space<vmem>> -> memref<1x200x64xf32, #tpu.memory_space<vmem>>
        %dma_wait3A_487 = tpu.memref_squeeze %dma_wait3A_486 : memref<1x200x64xf32, #tpu.memory_space<vmem>> -> memref<200x64xf32, #tpu.memory_space<vmem>>
        %dma_wait3A_488 = arith.constant 0 : i32
        %dma_wait3A_489 = arith.constant 0 : i32
        %dma_wait3A_490 = tpu.memref_slice %arg5[%mul3A_2, %dma_wait3A_488, %dma_wait3A_489] : memref<4096x200x64xf32, #tpu.memory_space<hbm>> -> memref<1x200x64xf32, #tpu.memory_space<hbm>>
        %dma_wait3A_491 = tpu.memref_squeeze %dma_wait3A_490 : memref<1x200x64xf32, #tpu.memory_space<hbm>> -> memref<200x64xf32, #tpu.memory_space<hbm>>
        %dma_wait3A_492 = tpu.memref_slice %arg10[%dma_wait3A_483] : memref<4x!tpu.dma_semaphore, #tpu.memory_space<semaphore_mem>> -> memref<1x!tpu.dma_semaphore, #tpu.memory_space<semaphore_mem>>
        %dma_wait3A_493 = tpu.memref_squeeze %dma_wait3A_492 : memref<1x!tpu.dma_semaphore, #tpu.memory_space<semaphore_mem>> -> memref<!tpu.dma_semaphore, #tpu.memory_space<semaphore_mem>>
        %dma_wait3A_494 = arith.constant 0 : i32
        %dma_wait3A_495 = arith.constant 0 : i32
        %dma_wait3A_496 = tpu.memref_slice %arg5[%mul3A_2, %dma_wait3A_494, %dma_wait3A_495] : memref<4096x200x64xf32, #tpu.memory_space<hbm>> -> memref<1x200x64xf32, #tpu.memory_space<hbm>>
        %dma_wait3A_497 = tpu.memref_squeeze %dma_wait3A_496 : memref<1x200x64xf32, #tpu.memory_space<hbm>> -> memref<200x64xf32, #tpu.memory_space<hbm>>
        %dma_wait3A_498 = arith.constant 0 : i32
        %dma_wait3A_499 = arith.constant 0 : i32
        %dma_wait3A_500 = tpu.memref_slice %arg7[%dma_wait3A_482, %dma_wait3A_498, %dma_wait3A_499] : memref<4x200x64xf32, #tpu.memory_space<vmem>> -> memref<1x200x64xf32, #tpu.memory_space<vmem>>
        %dma_wait3A_501 = tpu.memref_squeeze %dma_wait3A_500 : memref<1x200x64xf32, #tpu.memory_space<vmem>> -> memref<200x64xf32, #tpu.memory_space<vmem>>
        tpu.wait_dma2 semaphore(%dma_wait3A_493 : memref<!tpu.dma_semaphore, #tpu.memory_space<semaphore_mem>>) src(%dma_wait3A_501 : memref<200x64xf32, #tpu.memory_space<vmem>>) dst(%dma_wait3A_497 : memref<200x64xf32, #tpu.memory_space<hbm>>)
      } else {
      }
      %lt3A_343 = arith.constant 128 : i32
      %lt3A_344 = arith.cmpi slt, %sub3A_334, %lt3A_343 : i32
      %convert_element_type3A_345 = arith.extui %lt3A_344 : i1 to i32
      %cond3A_346 = arith.constant 0 : i32
      %cond3A_347 = arith.cmpi ne, %convert_element_type3A_345, %cond3A_346 : i32
      scf.if %cond3A_347 {
        %dma_start3A_482 = arith.constant 1 : i32
        %dma_start3A_483 = arith.constant 1 : i32
        %dma_start3A_484 = arith.constant 0 : i32
        %dma_start3A_485 = arith.constant 0 : i32
        %dma_start3A_486 = tpu.memref_slice %arg7[%dma_start3A_482, %dma_start3A_484, %dma_start3A_485] : memref<4x200x64xf32, #tpu.memory_space<vmem>> -> memref<1x128x64xf32, #tpu.memory_space<vmem>>
        %dma_start3A_487 = tpu.memref_squeeze %dma_start3A_486 : memref<1x128x64xf32, #tpu.memory_space<vmem>> -> memref<128x64xf32, #tpu.memory_space<vmem>>
        %dma_start3A_488 = arith.constant 0 : i32
        %dma_start3A_489 = tpu.memref_slice %arg6[%sub3A_334, %dma_start3A_488] : memref<128x200xi32, #tpu.memory_space<vmem>> -> memref<1x128xi32, #tpu.memory_space<vmem>>
        %dma_start3A_490 = tpu.memref_squeeze %dma_start3A_489 : memref<1x128xi32, #tpu.memory_space<vmem>> -> memref<128xi32, #tpu.memory_space<vmem>>
        %dma_start3A_491 = arith.constant 0 : i32
        %dma_start3A_492 = arith.constant 0 : i32
        %dma_start3A_493 = tpu.memref_slice %arg3[%dma_start3A_491, %dma_start3A_492] : memref<1000000x64xf32, #tpu.memory_space<hbm>> -> memref<1000000x64xf32, #tpu.memory_space<hbm>>
        %dma_start3A_494 = tpu.memref_slice %arg9[%dma_start3A_483] : memref<4x!tpu.dma_semaphore, #tpu.memory_space<semaphore_mem>> -> memref<1x!tpu.dma_semaphore, #tpu.memory_space<semaphore_mem>>
        %dma_start3A_495 = tpu.memref_squeeze %dma_start3A_494 : memref<1x!tpu.dma_semaphore, #tpu.memory_space<semaphore_mem>> -> memref<!tpu.dma_semaphore, #tpu.memory_space<semaphore_mem>>
        tpu.enqueue_indirect_dma source(%dma_start3A_493 : memref<1000000x64xf32, #tpu.memory_space<hbm>>) target(%dma_start3A_487 : memref<128x64xf32, #tpu.memory_space<vmem>>) offsets(%dma_start3A_490 : memref<128xi32, #tpu.memory_space<vmem>>) semaphore(%dma_start3A_495 : memref<!tpu.dma_semaphore, #tpu.memory_space<semaphore_mem>>)
        %dma_start3A_496 = arith.constant 1 : i32
        %dma_start3A_497 = arith.constant 1 : i32
        %dma_start3A_498 = arith.constant 128 : i32
        %dma_start3A_499 = arith.constant 0 : i32
        %dma_start3A_500 = tpu.memref_slice %arg7[%dma_start3A_496, %dma_start3A_498, %dma_start3A_499] : memref<4x200x64xf32, #tpu.memory_space<vmem>> -> memref<1x72x64xf32, #tpu.memory_space<vmem>>
        %dma_start3A_501 = tpu.memref_squeeze %dma_start3A_500 : memref<1x72x64xf32, #tpu.memory_space<vmem>> -> memref<72x64xf32, #tpu.memory_space<vmem>>
        %dma_start3A_502 = arith.constant 128 : i32
        %dma_start3A_503 = tpu.memref_slice %arg6[%sub3A_334, %dma_start3A_502] : memref<128x200xi32, #tpu.memory_space<vmem>> -> memref<1x72xi32, #tpu.memory_space<vmem>>
        %dma_start3A_504 = tpu.memref_squeeze %dma_start3A_503 : memref<1x72xi32, #tpu.memory_space<vmem>> -> memref<72xi32, #tpu.memory_space<vmem>>
        %dma_start3A_505 = arith.constant 0 : i32
        %dma_start3A_506 = arith.constant 0 : i32
        %dma_start3A_507 = tpu.memref_slice %arg3[%dma_start3A_505, %dma_start3A_506] : memref<1000000x64xf32, #tpu.memory_space<hbm>> -> memref<1000000x64xf32, #tpu.memory_space<hbm>>
        %dma_start3A_508 = tpu.memref_slice %arg9[%dma_start3A_497] : memref<4x!tpu.dma_semaphore, #tpu.memory_space<semaphore_mem>> -> memref<1x!tpu.dma_semaphore, #tpu.memory_space<semaphore_mem>>
        %dma_start3A_509 = tpu.memref_squeeze %dma_start3A_508 : memref<1x!tpu.dma_semaphore, #tpu.memory_space<semaphore_mem>> -> memref<!tpu.dma_semaphore, #tpu.memory_space<semaphore_mem>>
        tpu.enqueue_indirect_dma source(%dma_start3A_507 : memref<1000000x64xf32, #tpu.memory_space<hbm>>) target(%dma_start3A_501 : memref<72x64xf32, #tpu.memory_space<vmem>>) offsets(%dma_start3A_504 : memref<72xi32, #tpu.memory_space<vmem>>) semaphore(%dma_start3A_509 : memref<!tpu.dma_semaphore, #tpu.memory_space<semaphore_mem>>)
      } else {
      }
      %dma_wait3A_348 = arith.constant 2 : i32
      %dma_wait3A_349 = arith.constant 2 : i32
      %dma_wait3A_350 = arith.constant 0 : i32
      %dma_wait3A_351 = arith.constant 0 : i32
      %dma_wait3A_352 = tpu.memref_slice %arg7[%dma_wait3A_348, %dma_wait3A_350, %dma_wait3A_351] : memref<4x200x64xf32, #tpu.memory_space<vmem>> -> memref<1x128x64xf32, #tpu.memory_space<vmem>>
      %dma_wait3A_353 = tpu.memref_squeeze %dma_wait3A_352 : memref<1x128x64xf32, #tpu.memory_space<vmem>> -> memref<128x64xf32, #tpu.memory_space<vmem>>
      %dma_wait3A_354 = arith.constant 0 : i32
      %dma_wait3A_355 = tpu.memref_slice %arg6[%add3A_330, %dma_wait3A_354] : memref<128x200xi32, #tpu.memory_space<vmem>> -> memref<1x128xi32, #tpu.memory_space<vmem>>
      %dma_wait3A_356 = tpu.memref_squeeze %dma_wait3A_355 : memref<1x128xi32, #tpu.memory_space<vmem>> -> memref<128xi32, #tpu.memory_space<vmem>>
      %dma_wait3A_357 = arith.constant 0 : i32
      %dma_wait3A_358 = arith.constant 0 : i32
      %dma_wait3A_359 = tpu.memref_slice %arg3[%dma_wait3A_357, %dma_wait3A_358] : memref<1000000x64xf32, #tpu.memory_space<hbm>> -> memref<1000000x64xf32, #tpu.memory_space<hbm>>
      %dma_wait3A_360 = tpu.memref_slice %arg9[%dma_wait3A_349] : memref<4x!tpu.dma_semaphore, #tpu.memory_space<semaphore_mem>> -> memref<1x!tpu.dma_semaphore, #tpu.memory_space<semaphore_mem>>
      %dma_wait3A_361 = tpu.memref_squeeze %dma_wait3A_360 : memref<1x!tpu.dma_semaphore, #tpu.memory_space<semaphore_mem>> -> memref<!tpu.dma_semaphore, #tpu.memory_space<semaphore_mem>>
      tpu.wait_indirect_dma semaphore(%dma_wait3A_361 : memref<!tpu.dma_semaphore, #tpu.memory_space<semaphore_mem>>) src(%dma_wait3A_359 : memref<1000000x64xf32, #tpu.memory_space<hbm>>) dst(%dma_wait3A_353 : memref<128x64xf32, #tpu.memory_space<vmem>>)
      %dma_wait3A_362 = arith.constant 2 : i32
      %dma_wait3A_363 = arith.constant 2 : i32
      %dma_wait3A_364 = arith.constant 128 : i32
      %dma_wait3A_365 = arith.constant 0 : i32
      %dma_wait3A_366 = tpu.memref_slice %arg7[%dma_wait3A_362, %dma_wait3A_364, %dma_wait3A_365] : memref<4x200x64xf32, #tpu.memory_space<vmem>> -> memref<1x72x64xf32, #tpu.memory_space<vmem>>
      %dma_wait3A_367 = tpu.memref_squeeze %dma_wait3A_366 : memref<1x72x64xf32, #tpu.memory_space<vmem>> -> memref<72x64xf32, #tpu.memory_space<vmem>>
      %dma_wait3A_368 = arith.constant 128 : i32
      %dma_wait3A_369 = tpu.memref_slice %arg6[%add3A_330, %dma_wait3A_368] : memref<128x200xi32, #tpu.memory_space<vmem>> -> memref<1x72xi32, #tpu.memory_space<vmem>>
      %dma_wait3A_370 = tpu.memref_squeeze %dma_wait3A_369 : memref<1x72xi32, #tpu.memory_space<vmem>> -> memref<72xi32, #tpu.memory_space<vmem>>
      %dma_wait3A_371 = arith.constant 0 : i32
      %dma_wait3A_372 = arith.constant 0 : i32
      %dma_wait3A_373 = tpu.memref_slice %arg3[%dma_wait3A_371, %dma_wait3A_372] : memref<1000000x64xf32, #tpu.memory_space<hbm>> -> memref<1000000x64xf32, #tpu.memory_space<hbm>>
      %dma_wait3A_374 = tpu.memref_slice %arg9[%dma_wait3A_363] : memref<4x!tpu.dma_semaphore, #tpu.memory_space<semaphore_mem>> -> memref<1x!tpu.dma_semaphore, #tpu.memory_space<semaphore_mem>>
      %dma_wait3A_375 = tpu.memref_squeeze %dma_wait3A_374 : memref<1x!tpu.dma_semaphore, #tpu.memory_space<semaphore_mem>> -> memref<!tpu.dma_semaphore, #tpu.memory_space<semaphore_mem>>
      tpu.wait_indirect_dma semaphore(%dma_wait3A_375 : memref<!tpu.dma_semaphore, #tpu.memory_space<semaphore_mem>>) src(%dma_wait3A_373 : memref<1000000x64xf32, #tpu.memory_space<hbm>>) dst(%dma_wait3A_367 : memref<72x64xf32, #tpu.memory_space<vmem>>)
      %scan3A_376 = arith.constant 0 : i32
      %scan3A_377 = arith.constant 0 : i32
      %scan3A_378 = arith.constant 100 : i32
      %scan3A_379 = arith.addi %scan3A_377, %scan3A_378 : i32
      %scan3A_380 = arith.constant 1 : i32
      %scan3A_381 = scf.for %scan3A_482 = %scan3A_377 to %scan3A_379 step %scan3A_380 iter_args(%scan3A_483 = %scan3A_376) -> (i32)  : i32 {
        %mul3A_484 = arith.constant 2 : i32
        %mul3A_485 = arith.muli %mul3A_484, %scan3A_482 : i32
        %add3A_486 = arith.constant 0 : i32
        %add3A_487 = arith.addi %mul3A_485, %add3A_486 : i32
        %get3A = arith.constant 2 : i32
        %get3A_488 = arith.index_cast %get3A : i32 to index
        %get3A_489 = arith.index_cast %add3A_487 : i32 to index
        %get3A_490 = arith.constant 0 : index
        %get3A_491 = tpu.vector_load %arg7[%get3A_488, %get3A_489, %get3A_490] {strides = array<i32>} : memref<4x200x64xf32, #tpu.memory_space<vmem>>, vector<1x1x16xf32>,
        %get3A_492 = vector.shape_cast %get3A_491 : vector<1x1x16xf32> to vector<16xf32>
        %get3A_493 = arith.index_cast %add3A_487 : i32 to index
        %get3A_494 = arith.constant 0 : index
        %get3A_495 = tpu.vector_load %arg8[%get3A_493, %get3A_494] {strides = array<i32>} : memref<200x64xf32, #tpu.memory_space<vmem>>, vector<1x16xf32>,
        %get3A_496 = vector.shape_cast %get3A_495 : vector<1x16xf32> to vector<16xf32>
        %add3A_497 = arith.addf %get3A_492, %get3A_496 : vector<16xf32>
        %swap3A = arith.constant 2 : i32
        %swap3A_498 = arith.index_cast %swap3A : i32 to index
        %swap3A_499 = arith.index_cast %add3A_487 : i32 to index
        %swap3A_500 = arith.constant 0 : index
        %swap3A_501 = tpu.vector_load %arg7[%swap3A_498, %swap3A_499, %swap3A_500] {strides = array<i32>} : memref<4x200x64xf32, #tpu.memory_space<vmem>>, vector<1x1x16xf32>,
        %swap3A_502 = vector.shape_cast %swap3A_501 : vector<1x1x16xf32> to vector<16xf32>
        %swap3A_503 = vector.shape_cast %add3A_497 : vector<16xf32> to vector<1x1x16xf32>
        tpu.vector_store %arg7[%swap3A_498, %swap3A_499, %swap3A_500], %swap3A_503 {strides = array<i32>} : memref<4x200x64xf32, #tpu.memory_space<vmem>>, vector<1x1x16xf32>,
        %get3A_504 = arith.constant 2 : i32
        %get3A_505 = arith.index_cast %get3A_504 : i32 to index
        %get3A_506 = arith.index_cast %add3A_487 : i32 to index
        %get3A_507 = arith.constant 16 : index
        %get3A_508 = tpu.vector_load %arg7[%get3A_505, %get3A_506, %get3A_507] {strides = array<i32>} : memref<4x200x64xf32, #tpu.memory_space<vmem>>, vector<1x1x16xf32>,
        %get3A_509 = vector.shape_cast %get3A_508 : vector<1x1x16xf32> to vector<16xf32>
        %get3A_510 = arith.index_cast %add3A_487 : i32 to index
        %get3A_511 = arith.constant 16 : index
        %get3A_512 = tpu.vector_load %arg8[%get3A_510, %get3A_511] {strides = array<i32>} : memref<200x64xf32, #tpu.memory_space<vmem>>, vector<1x16xf32>,
        %get3A_513 = vector.shape_cast %get3A_512 : vector<1x16xf32> to vector<16xf32>
        %add3A_514 = arith.addf %get3A_509, %get3A_513 : vector<16xf32>
        %swap3A_515 = arith.constant 2 : i32
        %swap3A_516 = arith.index_cast %swap3A_515 : i32 to index
        %swap3A_517 = arith.index_cast %add3A_487 : i32 to index
        %swap3A_518 = arith.constant 16 : index
        %swap3A_519 = tpu.vector_load %arg7[%swap3A_516, %swap3A_517, %swap3A_518] {strides = array<i32>} : memref<4x200x64xf32, #tpu.memory_space<vmem>>, vector<1x1x16xf32>,
        %swap3A_520 = vector.shape_cast %swap3A_519 : vector<1x1x16xf32> to vector<16xf32>
        %swap3A_521 = vector.shape_cast %add3A_514 : vector<16xf32> to vector<1x1x16xf32>
        tpu.vector_store %arg7[%swap3A_516, %swap3A_517, %swap3A_518], %swap3A_521 {strides = array<i32>} : memref<4x200x64xf32, #tpu.memory_space<vmem>>, vector<1x1x16xf32>,
        %get3A_522 = arith.constant 2 : i32
        %get3A_523 = arith.index_cast %get3A_522 : i32 to index
        %get3A_524 = arith.index_cast %add3A_487 : i32 to index
        %get3A_525 = arith.constant 32 : index
        %get3A_526 = tpu.vector_load %arg7[%get3A_523, %get3A_524, %get3A_525] {strides = array<i32>} : memref<4x200x64xf32, #tpu.memory_space<vmem>>, vector<1x1x16xf32>,
        %get3A_527 = vector.shape_cast %get3A_526 : vector<1x1x16xf32> to vector<16xf32>
        %get3A_528 = arith.index_cast %add3A_487 : i32 to index
        %get3A_529 = arith.constant 32 : index
        %get3A_530 = tpu.vector_load %arg8[%get3A_528, %get3A_529] {strides = array<i32>} : memref<200x64xf32, #tpu.memory_space<vmem>>, vector<1x16xf32>,
        %get3A_531 = vector.shape_cast %get3A_530 : vector<1x16xf32> to vector<16xf32>
        %add3A_532 = arith.addf %get3A_527, %get3A_531 : vector<16xf32>
        %swap3A_533 = arith.constant 2 : i32
        %swap3A_534 = arith.index_cast %swap3A_533 : i32 to index
        %swap3A_535 = arith.index_cast %add3A_487 : i32 to index
        %swap3A_536 = arith.constant 32 : index
        %swap3A_537 = tpu.vector_load %arg7[%swap3A_534, %swap3A_535, %swap3A_536] {strides = array<i32>} : memref<4x200x64xf32, #tpu.memory_space<vmem>>, vector<1x1x16xf32>,
        %swap3A_538 = vector.shape_cast %swap3A_537 : vector<1x1x16xf32> to vector<16xf32>
        %swap3A_539 = vector.shape_cast %add3A_532 : vector<16xf32> to vector<1x1x16xf32>
        tpu.vector_store %arg7[%swap3A_534, %swap3A_535, %swap3A_536], %swap3A_539 {strides = array<i32>} : memref<4x200x64xf32, #tpu.memory_space<vmem>>, vector<1x1x16xf32>,
        %get3A_540 = arith.constant 2 : i32
        %get3A_541 = arith.index_cast %get3A_540 : i32 to index
        %get3A_542 = arith.index_cast %add3A_487 : i32 to index
        %get3A_543 = arith.constant 48 : index
        %get3A_544 = tpu.vector_load %arg7[%get3A_541, %get3A_542, %get3A_543] {strides = array<i32>} : memref<4x200x64xf32, #tpu.memory_space<vmem>>, vector<1x1x16xf32>,
        %get3A_545 = vector.shape_cast %get3A_544 : vector<1x1x16xf32> to vector<16xf32>
        %get3A_546 = arith.index_cast %add3A_487 : i32 to index
        %get3A_547 = arith.constant 48 : index
        %get3A_548 = tpu.vector_load %arg8[%get3A_546, %get3A_547] {strides = array<i32>} : memref<200x64xf32, #tpu.memory_space<vmem>>, vector<1x16xf32>,
        %get3A_549 = vector.shape_cast %get3A_548 : vector<1x16xf32> to vector<16xf32>
        %add3A_550 = arith.addf %get3A_545, %get3A_549 : vector<16xf32>
        %swap3A_551 = arith.constant 2 : i32
        %swap3A_552 = arith.index_cast %swap3A_551 : i32 to index
        %swap3A_553 = arith.index_cast %add3A_487 : i32 to index
        %swap3A_554 = arith.constant 48 : index
        %swap3A_555 = tpu.vector_load %arg7[%swap3A_552, %swap3A_553, %swap3A_554] {strides = array<i32>} : memref<4x200x64xf32, #tpu.memory_space<vmem>>, vector<1x1x16xf32>,
        %swap3A_556 = vector.shape_cast %swap3A_555 : vector<1x1x16xf32> to vector<16xf32>
        %swap3A_557 = vector.shape_cast %add3A_550 : vector<16xf32> to vector<1x1x16xf32>
        tpu.vector_store %arg7[%swap3A_552, %swap3A_553, %swap3A_554], %swap3A_557 {strides = array<i32>} : memref<4x200x64xf32, #tpu.memory_space<vmem>>, vector<1x1x16xf32>,
        %mul3A_558 = arith.constant 2 : i32
        %mul3A_559 = arith.muli %mul3A_558, %scan3A_482 : i32
        %add3A_560 = arith.constant 1 : i32
        %add3A_561 = arith.addi %mul3A_559, %add3A_560 : i32
        %get3A_562 = arith.constant 2 : i32
        %get3A_563 = arith.index_cast %get3A_562 : i32 to index
        %get3A_564 = arith.index_cast %add3A_561 : i32 to index
        %get3A_565 = arith.constant 0 : index
        %get3A_566 = tpu.vector_load %arg7[%get3A_563, %get3A_564, %get3A_565] {strides = array<i32>} : memref<4x200x64xf32, #tpu.memory_space<vmem>>, vector<1x1x16xf32>,
        %get3A_567 = vector.shape_cast %get3A_566 : vector<1x1x16xf32> to vector<16xf32>
        %get3A_568 = arith.index_cast %add3A_561 : i32 to index
        %get3A_569 = arith.constant 0 : index
        %get3A_570 = tpu.vector_load %arg8[%get3A_568, %get3A_569] {strides = array<i32>} : memref<200x64xf32, #tpu.memory_space<vmem>>, vector<1x16xf32>,
        %get3A_571 = vector.shape_cast %get3A_570 : vector<1x16xf32> to vector<16xf32>
        %add3A_572 = arith.addf %get3A_567, %get3A_571 : vector<16xf32>
        %swap3A_573 = arith.constant 2 : i32
        %swap3A_574 = arith.index_cast %swap3A_573 : i32 to index
        %swap3A_575 = arith.index_cast %add3A_561 : i32 to index
        %swap3A_576 = arith.constant 0 : index
        %swap3A_577 = tpu.vector_load %arg7[%swap3A_574, %swap3A_575, %swap3A_576] {strides = array<i32>} : memref<4x200x64xf32, #tpu.memory_space<vmem>>, vector<1x1x16xf32>,
        %swap3A_578 = vector.shape_cast %swap3A_577 : vector<1x1x16xf32> to vector<16xf32>
        %swap3A_579 = vector.shape_cast %add3A_572 : vector<16xf32> to vector<1x1x16xf32>
        tpu.vector_store %arg7[%swap3A_574, %swap3A_575, %swap3A_576], %swap3A_579 {strides = array<i32>} : memref<4x200x64xf32, #tpu.memory_space<vmem>>, vector<1x1x16xf32>,
        %get3A_580 = arith.constant 2 : i32
        %get3A_581 = arith.index_cast %get3A_580 : i32 to index
        %get3A_582 = arith.index_cast %add3A_561 : i32 to index
        %get3A_583 = arith.constant 16 : index
        %get3A_584 = tpu.vector_load %arg7[%get3A_581, %get3A_582, %get3A_583] {strides = array<i32>} : memref<4x200x64xf32, #tpu.memory_space<vmem>>, vector<1x1x16xf32>,
        %get3A_585 = vector.shape_cast %get3A_584 : vector<1x1x16xf32> to vector<16xf32>
        %get3A_586 = arith.index_cast %add3A_561 : i32 to index
        %get3A_587 = arith.constant 16 : index
        %get3A_588 = tpu.vector_load %arg8[%get3A_586, %get3A_587] {strides = array<i32>} : memref<200x64xf32, #tpu.memory_space<vmem>>, vector<1x16xf32>,
        %get3A_589 = vector.shape_cast %get3A_588 : vector<1x16xf32> to vector<16xf32>
        %add3A_590 = arith.addf %get3A_585, %get3A_589 : vector<16xf32>
        %swap3A_591 = arith.constant 2 : i32
        %swap3A_592 = arith.index_cast %swap3A_591 : i32 to index
        %swap3A_593 = arith.index_cast %add3A_561 : i32 to index
        %swap3A_594 = arith.constant 16 : index
        %swap3A_595 = tpu.vector_load %arg7[%swap3A_592, %swap3A_593, %swap3A_594] {strides = array<i32>} : memref<4x200x64xf32, #tpu.memory_space<vmem>>, vector<1x1x16xf32>,
        %swap3A_596 = vector.shape_cast %swap3A_595 : vector<1x1x16xf32> to vector<16xf32>
        %swap3A_597 = vector.shape_cast %add3A_590 : vector<16xf32> to vector<1x1x16xf32>
        tpu.vector_store %arg7[%swap3A_592, %swap3A_593, %swap3A_594], %swap3A_597 {strides = array<i32>} : memref<4x200x64xf32, #tpu.memory_space<vmem>>, vector<1x1x16xf32>,
        %get3A_598 = arith.constant 2 : i32
        %get3A_599 = arith.index_cast %get3A_598 : i32 to index
        %get3A_600 = arith.index_cast %add3A_561 : i32 to index
        %get3A_601 = arith.constant 32 : index
        %get3A_602 = tpu.vector_load %arg7[%get3A_599, %get3A_600, %get3A_601] {strides = array<i32>} : memref<4x200x64xf32, #tpu.memory_space<vmem>>, vector<1x1x16xf32>,
        %get3A_603 = vector.shape_cast %get3A_602 : vector<1x1x16xf32> to vector<16xf32>
        %get3A_604 = arith.index_cast %add3A_561 : i32 to index
        %get3A_605 = arith.constant 32 : index
        %get3A_606 = tpu.vector_load %arg8[%get3A_604, %get3A_605] {strides = array<i32>} : memref<200x64xf32, #tpu.memory_space<vmem>>, vector<1x16xf32>,
        %get3A_607 = vector.shape_cast %get3A_606 : vector<1x16xf32> to vector<16xf32>
        %add3A_608 = arith.addf %get3A_603, %get3A_607 : vector<16xf32>
        %swap3A_609 = arith.constant 2 : i32
        %swap3A_610 = arith.index_cast %swap3A_609 : i32 to index
        %swap3A_611 = arith.index_cast %add3A_561 : i32 to index
        %swap3A_612 = arith.constant 32 : index
        %swap3A_613 = tpu.vector_load %arg7[%swap3A_610, %swap3A_611, %swap3A_612] {strides = array<i32>} : memref<4x200x64xf32, #tpu.memory_space<vmem>>, vector<1x1x16xf32>,
        %swap3A_614 = vector.shape_cast %swap3A_613 : vector<1x1x16xf32> to vector<16xf32>
        %swap3A_615 = vector.shape_cast %add3A_608 : vector<16xf32> to vector<1x1x16xf32>
        tpu.vector_store %arg7[%swap3A_610, %swap3A_611, %swap3A_612], %swap3A_615 {strides = array<i32>} : memref<4x200x64xf32, #tpu.memory_space<vmem>>, vector<1x1x16xf32>,
        %get3A_616 = arith.constant 2 : i32
        %get3A_617 = arith.index_cast %get3A_616 : i32 to index
        %get3A_618 = arith.index_cast %add3A_561 : i32 to index
        %get3A_619 = arith.constant 48 : index
        %get3A_620 = tpu.vector_load %arg7[%get3A_617, %get3A_618, %get3A_619] {strides = array<i32>} : memref<4x200x64xf32, #tpu.memory_space<vmem>>, vector<1x1x16xf32>,
        %get3A_621 = vector.shape_cast %get3A_620 : vector<1x1x16xf32> to vector<16xf32>
        %get3A_622 = arith.index_cast %add3A_561 : i32 to index
        %get3A_623 = arith.constant 48 : index
        %get3A_624 = tpu.vector_load %arg8[%get3A_622, %get3A_623] {strides = array<i32>} : memref<200x64xf32, #tpu.memory_space<vmem>>, vector<1x16xf32>,
        %get3A_625 = vector.shape_cast %get3A_624 : vector<1x16xf32> to vector<16xf32>
        %add3A_626 = arith.addf %get3A_621, %get3A_625 : vector<16xf32>
        %swap3A_627 = arith.constant 2 : i32
        %swap3A_628 = arith.index_cast %swap3A_627 : i32 to index
        %swap3A_629 = arith.index_cast %add3A_561 : i32 to index
        %swap3A_630 = arith.constant 48 : index
        %swap3A_631 = tpu.vector_load %arg7[%swap3A_628, %swap3A_629, %swap3A_630] {strides = array<i32>} : memref<4x200x64xf32, #tpu.memory_space<vmem>>, vector<1x1x16xf32>,
        %swap3A_632 = vector.shape_cast %swap3A_631 : vector<1x1x16xf32> to vector<16xf32>
        %swap3A_633 = vector.shape_cast %add3A_626 : vector<16xf32> to vector<1x1x16xf32>
        tpu.vector_store %arg7[%swap3A_628, %swap3A_629, %swap3A_630], %swap3A_633 {strides = array<i32>} : memref<4x200x64xf32, #tpu.memory_space<vmem>>, vector<1x1x16xf32>,
        %scan3A_634 = arith.constant 0 : i32
        scf.yield %scan3A_634 : i32
      }
      %scan3A_382 = arith.constant 100 : i32
      %add3A_383 = arith.addi %mul3A_2, %add3A_330 : i32
      %dma_start3A_384 = arith.constant 2 : i32
      %dma_start3A_385 = arith.constant 2 : i32
      %dma_start3A_386 = arith.constant 0 : i32
      %dma_start3A_387 = arith.constant 0 : i32
      %dma_start3A_388 = tpu.memref_slice %arg7[%dma_start3A_384, %dma_start3A_386, %dma_start3A_387] : memref<4x200x64xf32, #tpu.memory_space<vmem>> -> memref<1x200x64xf32, #tpu.memory_space<vmem>>
      %dma_start3A_389 = tpu.memref_squeeze %dma_start3A_388 : memref<1x200x64xf32, #tpu.memory_space<vmem>> -> memref<200x64xf32, #tpu.memory_space<vmem>>
      %dma_start3A_390 = arith.constant 0 : i32
      %dma_start3A_391 = arith.constant 0 : i32
      %dma_start3A_392 = tpu.memref_slice %arg5[%add3A_383, %dma_start3A_390, %dma_start3A_391] : memref<4096x200x64xf32, #tpu.memory_space<hbm>> -> memref<1x200x64xf32, #tpu.memory_space<hbm>>
      %dma_start3A_393 = tpu.memref_squeeze %dma_start3A_392 : memref<1x200x64xf32, #tpu.memory_space<hbm>> -> memref<200x64xf32, #tpu.memory_space<hbm>>
      %dma_start3A_394 = tpu.memref_slice %arg10[%dma_start3A_385] : memref<4x!tpu.dma_semaphore, #tpu.memory_space<semaphore_mem>> -> memref<1x!tpu.dma_semaphore, #tpu.memory_space<semaphore_mem>>
      %dma_start3A_395 = tpu.memref_squeeze %dma_start3A_394 : memref<1x!tpu.dma_semaphore, #tpu.memory_space<semaphore_mem>> -> memref<!tpu.dma_semaphore, #tpu.memory_space<semaphore_mem>>
      %dma_start3A_396 = arith.constant 0 : i32
      %dma_start3A_397 = arith.constant 0 : i32
      %dma_start3A_398 = tpu.memref_slice %arg5[%add3A_383, %dma_start3A_396, %dma_start3A_397] : memref<4096x200x64xf32, #tpu.memory_space<hbm>> -> memref<1x200x64xf32, #tpu.memory_space<hbm>>
      %dma_start3A_399 = tpu.memref_squeeze %dma_start3A_398 : memref<1x200x64xf32, #tpu.memory_space<hbm>> -> memref<200x64xf32, #tpu.memory_space<hbm>>
      %dma_start3A_400 = arith.constant 0 : i32
      %dma_start3A_401 = arith.constant 0 : i32
      %dma_start3A_402 = tpu.memref_slice %arg7[%dma_start3A_384, %dma_start3A_400, %dma_start3A_401] : memref<4x200x64xf32, #tpu.memory_space<vmem>> -> memref<1x200x64xf32, #tpu.memory_space<vmem>>
      %dma_start3A_403 = tpu.memref_squeeze %dma_start3A_402 : memref<1x200x64xf32, #tpu.memory_space<vmem>> -> memref<200x64xf32, #tpu.memory_space<vmem>>
      tpu.enqueue_dma source(%dma_start3A_403 : memref<200x64xf32, #tpu.memory_space<vmem>>) target(%dma_start3A_399 : memref<200x64xf32, #tpu.memory_space<hbm>>) target_semaphore(%dma_start3A_395 : memref<!tpu.dma_semaphore, #tpu.memory_space<semaphore_mem>>)
      %mul3A_404 = arith.constant 4 : i32
      %mul3A_405 = arith.muli %mul3A_404, %scan3A_177 : i32
      %add3A_406 = arith.constant 3 : i32
      %add3A_407 = arith.addi %mul3A_405, %add3A_406 : i32
      %add3A_408 = arith.constant 4 : i32
      %add3A_409 = arith.addi %add3A_407, %add3A_408 : i32
      %sub3A_410 = arith.constant 1 : i32
      %sub3A_411 = arith.subi %add3A_409, %sub3A_410 : i32
      %ge3A_412 = arith.constant 1 : i32
      %ge3A_413 = arith.cmpi sge, %add3A_407, %ge3A_412 : i32
      %lt3A_414 = arith.constant 128 : i32
      %lt3A_415 = arith.cmpi slt, %sub3A_411, %lt3A_414 : i32
      %and3A_416 = arith.andi %ge3A_413, %lt3A_415 : i1
      %convert_element_type3A_417 = arith.extui %and3A_416 : i1 to i32
      %cond3A_418 = arith.constant 0 : i32
      %cond3A_419 = arith.cmpi ne, %convert_element_type3A_417, %cond3A_418 : i32
      scf.if %cond3A_419 {
        %dma_wait3A_482 = arith.constant 2 : i32
        %dma_wait3A_483 = arith.constant 2 : i32
        %dma_wait3A_484 = arith.constant 0 : i32
        %dma_wait3A_485 = arith.constant 0 : i32
        %dma_wait3A_486 = tpu.memref_slice %arg7[%dma_wait3A_482, %dma_wait3A_484, %dma_wait3A_485] : memref<4x200x64xf32, #tpu.memory_space<vmem>> -> memref<1x200x64xf32, #tpu.memory_space<vmem>>
        %dma_wait3A_487 = tpu.memref_squeeze %dma_wait3A_486 : memref<1x200x64xf32, #tpu.memory_space<vmem>> -> memref<200x64xf32, #tpu.memory_space<vmem>>
        %dma_wait3A_488 = arith.constant 0 : i32
        %dma_wait3A_489 = arith.constant 0 : i32
        %dma_wait3A_490 = tpu.memref_slice %arg5[%mul3A_2, %dma_wait3A_488, %dma_wait3A_489] : memref<4096x200x64xf32, #tpu.memory_space<hbm>> -> memref<1x200x64xf32, #tpu.memory_space<hbm>>
        %dma_wait3A_491 = tpu.memref_squeeze %dma_wait3A_490 : memref<1x200x64xf32, #tpu.memory_space<hbm>> -> memref<200x64xf32, #tpu.memory_space<hbm>>
        %dma_wait3A_492 = tpu.memref_slice %arg10[%dma_wait3A_483] : memref<4x!tpu.dma_semaphore, #tpu.memory_space<semaphore_mem>> -> memref<1x!tpu.dma_semaphore, #tpu.memory_space<semaphore_mem>>
        %dma_wait3A_493 = tpu.memref_squeeze %dma_wait3A_492 : memref<1x!tpu.dma_semaphore, #tpu.memory_space<semaphore_mem>> -> memref<!tpu.dma_semaphore, #tpu.memory_space<semaphore_mem>>
        %dma_wait3A_494 = arith.constant 0 : i32
        %dma_wait3A_495 = arith.constant 0 : i32
        %dma_wait3A_496 = tpu.memref_slice %arg5[%mul3A_2, %dma_wait3A_494, %dma_wait3A_495] : memref<4096x200x64xf32, #tpu.memory_space<hbm>> -> memref<1x200x64xf32, #tpu.memory_space<hbm>>
        %dma_wait3A_497 = tpu.memref_squeeze %dma_wait3A_496 : memref<1x200x64xf32, #tpu.memory_space<hbm>> -> memref<200x64xf32, #tpu.memory_space<hbm>>
        %dma_wait3A_498 = arith.constant 0 : i32
        %dma_wait3A_499 = arith.constant 0 : i32
        %dma_wait3A_500 = tpu.memref_slice %arg7[%dma_wait3A_482, %dma_wait3A_498, %dma_wait3A_499] : memref<4x200x64xf32, #tpu.memory_space<vmem>> -> memref<1x200x64xf32, #tpu.memory_space<vmem>>
        %dma_wait3A_501 = tpu.memref_squeeze %dma_wait3A_500 : memref<1x200x64xf32, #tpu.memory_space<vmem>> -> memref<200x64xf32, #tpu.memory_space<vmem>>
        tpu.wait_dma2 semaphore(%dma_wait3A_493 : memref<!tpu.dma_semaphore, #tpu.memory_space<semaphore_mem>>) src(%dma_wait3A_501 : memref<200x64xf32, #tpu.memory_space<vmem>>) dst(%dma_wait3A_497 : memref<200x64xf32, #tpu.memory_space<hbm>>)
      } else {
      }
      %lt3A_420 = arith.constant 128 : i32
      %lt3A_421 = arith.cmpi slt, %sub3A_411, %lt3A_420 : i32
      %convert_element_type3A_422 = arith.extui %lt3A_421 : i1 to i32
      %cond3A_423 = arith.constant 0 : i32
      %cond3A_424 = arith.cmpi ne, %convert_element_type3A_422, %cond3A_423 : i32
      scf.if %cond3A_424 {
        %dma_start3A_482 = arith.constant 2 : i32
        %dma_start3A_483 = arith.constant 2 : i32
        %dma_start3A_484 = arith.constant 0 : i32
        %dma_start3A_485 = arith.constant 0 : i32
        %dma_start3A_486 = tpu.memref_slice %arg7[%dma_start3A_482, %dma_start3A_484, %dma_start3A_485] : memref<4x200x64xf32, #tpu.memory_space<vmem>> -> memref<1x128x64xf32, #tpu.memory_space<vmem>>
        %dma_start3A_487 = tpu.memref_squeeze %dma_start3A_486 : memref<1x128x64xf32, #tpu.memory_space<vmem>> -> memref<128x64xf32, #tpu.memory_space<vmem>>
        %dma_start3A_488 = arith.constant 0 : i32
        %dma_start3A_489 = tpu.memref_slice %arg6[%sub3A_411, %dma_start3A_488] : memref<128x200xi32, #tpu.memory_space<vmem>> -> memref<1x128xi32, #tpu.memory_space<vmem>>
        %dma_start3A_490 = tpu.memref_squeeze %dma_start3A_489 : memref<1x128xi32, #tpu.memory_space<vmem>> -> memref<128xi32, #tpu.memory_space<vmem>>
        %dma_start3A_491 = arith.constant 0 : i32
        %dma_start3A_492 = arith.constant 0 : i32
        %dma_start3A_493 = tpu.memref_slice %arg3[%dma_start3A_491, %dma_start3A_492] : memref<1000000x64xf32, #tpu.memory_space<hbm>> -> memref<1000000x64xf32, #tpu.memory_space<hbm>>
        %dma_start3A_494 = tpu.memref_slice %arg9[%dma_start3A_483] : memref<4x!tpu.dma_semaphore, #tpu.memory_space<semaphore_mem>> -> memref<1x!tpu.dma_semaphore, #tpu.memory_space<semaphore_mem>>
        %dma_start3A_495 = tpu.memref_squeeze %dma_start3A_494 : memref<1x!tpu.dma_semaphore, #tpu.memory_space<semaphore_mem>> -> memref<!tpu.dma_semaphore, #tpu.memory_space<semaphore_mem>>
        tpu.enqueue_indirect_dma source(%dma_start3A_493 : memref<1000000x64xf32, #tpu.memory_space<hbm>>) target(%dma_start3A_487 : memref<128x64xf32, #tpu.memory_space<vmem>>) offsets(%dma_start3A_490 : memref<128xi32, #tpu.memory_space<vmem>>) semaphore(%dma_start3A_495 : memref<!tpu.dma_semaphore, #tpu.memory_space<semaphore_mem>>)
        %dma_start3A_496 = arith.constant 2 : i32
        %dma_start3A_497 = arith.constant 2 : i32
        %dma_start3A_498 = arith.constant 128 : i32
        %dma_start3A_499 = arith.constant 0 : i32
        %dma_start3A_500 = tpu.memref_slice %arg7[%dma_start3A_496, %dma_start3A_498, %dma_start3A_499] : memref<4x200x64xf32, #tpu.memory_space<vmem>> -> memref<1x72x64xf32, #tpu.memory_space<vmem>>
        %dma_start3A_501 = tpu.memref_squeeze %dma_start3A_500 : memref<1x72x64xf32, #tpu.memory_space<vmem>> -> memref<72x64xf32, #tpu.memory_space<vmem>>
        %dma_start3A_502 = arith.constant 128 : i32
        %dma_start3A_503 = tpu.memref_slice %arg6[%sub3A_411, %dma_start3A_502] : memref<128x200xi32, #tpu.memory_space<vmem>> -> memref<1x72xi32, #tpu.memory_space<vmem>>
        %dma_start3A_504 = tpu.memref_squeeze %dma_start3A_503 : memref<1x72xi32, #tpu.memory_space<vmem>> -> memref<72xi32, #tpu.memory_space<vmem>>
        %dma_start3A_505 = arith.constant 0 : i32
        %dma_start3A_506 = arith.constant 0 : i32
        %dma_start3A_507 = tpu.memref_slice %arg3[%dma_start3A_505, %dma_start3A_506] : memref<1000000x64xf32, #tpu.memory_space<hbm>> -> memref<1000000x64xf32, #tpu.memory_space<hbm>>
        %dma_start3A_508 = tpu.memref_slice %arg9[%dma_start3A_497] : memref<4x!tpu.dma_semaphore, #tpu.memory_space<semaphore_mem>> -> memref<1x!tpu.dma_semaphore, #tpu.memory_space<semaphore_mem>>
        %dma_start3A_509 = tpu.memref_squeeze %dma_start3A_508 : memref<1x!tpu.dma_semaphore, #tpu.memory_space<semaphore_mem>> -> memref<!tpu.dma_semaphore, #tpu.memory_space<semaphore_mem>>
        tpu.enqueue_indirect_dma source(%dma_start3A_507 : memref<1000000x64xf32, #tpu.memory_space<hbm>>) target(%dma_start3A_501 : memref<72x64xf32, #tpu.memory_space<vmem>>) offsets(%dma_start3A_504 : memref<72xi32, #tpu.memory_space<vmem>>) semaphore(%dma_start3A_509 : memref<!tpu.dma_semaphore, #tpu.memory_space<semaphore_mem>>)
      } else {
      }
      %dma_wait3A_425 = arith.constant 3 : i32
      %dma_wait3A_426 = arith.constant 3 : i32
      %dma_wait3A_427 = arith.constant 0 : i32
      %dma_wait3A_428 = arith.constant 0 : i32
      %dma_wait3A_429 = tpu.memref_slice %arg7[%dma_wait3A_425, %dma_wait3A_427, %dma_wait3A_428] : memref<4x200x64xf32, #tpu.memory_space<vmem>> -> memref<1x128x64xf32, #tpu.memory_space<vmem>>
      %dma_wait3A_430 = tpu.memref_squeeze %dma_wait3A_429 : memref<1x128x64xf32, #tpu.memory_space<vmem>> -> memref<128x64xf32, #tpu.memory_space<vmem>>
      %dma_wait3A_431 = arith.constant 0 : i32
      %dma_wait3A_432 = tpu.memref_slice %arg6[%add3A_407, %dma_wait3A_431] : memref<128x200xi32, #tpu.memory_space<vmem>> -> memref<1x128xi32, #tpu.memory_space<vmem>>
      %dma_wait3A_433 = tpu.memref_squeeze %dma_wait3A_432 : memref<1x128xi32, #tpu.memory_space<vmem>> -> memref<128xi32, #tpu.memory_space<vmem>>
      %dma_wait3A_434 = arith.constant 0 : i32
      %dma_wait3A_435 = arith.constant 0 : i32
      %dma_wait3A_436 = tpu.memref_slice %arg3[%dma_wait3A_434, %dma_wait3A_435] : memref<1000000x64xf32, #tpu.memory_space<hbm>> -> memref<1000000x64xf32, #tpu.memory_space<hbm>>
      %dma_wait3A_437 = tpu.memref_slice %arg9[%dma_wait3A_426] : memref<4x!tpu.dma_semaphore, #tpu.memory_space<semaphore_mem>> -> memref<1x!tpu.dma_semaphore, #tpu.memory_space<semaphore_mem>>
      %dma_wait3A_438 = tpu.memref_squeeze %dma_wait3A_437 : memref<1x!tpu.dma_semaphore, #tpu.memory_space<semaphore_mem>> -> memref<!tpu.dma_semaphore, #tpu.memory_space<semaphore_mem>>
      tpu.wait_indirect_dma semaphore(%dma_wait3A_438 : memref<!tpu.dma_semaphore, #tpu.memory_space<semaphore_mem>>) src(%dma_wait3A_436 : memref<1000000x64xf32, #tpu.memory_space<hbm>>) dst(%dma_wait3A_430 : memref<128x64xf32, #tpu.memory_space<vmem>>)
      %dma_wait3A_439 = arith.constant 3 : i32
      %dma_wait3A_440 = arith.constant 3 : i32
      %dma_wait3A_441 = arith.constant 128 : i32
      %dma_wait3A_442 = arith.constant 0 : i32
      %dma_wait3A_443 = tpu.memref_slice %arg7[%dma_wait3A_439, %dma_wait3A_441, %dma_wait3A_442] : memref<4x200x64xf32, #tpu.memory_space<vmem>> -> memref<1x72x64xf32, #tpu.memory_space<vmem>>
      %dma_wait3A_444 = tpu.memref_squeeze %dma_wait3A_443 : memref<1x72x64xf32, #tpu.memory_space<vmem>> -> memref<72x64xf32, #tpu.memory_space<vmem>>
      %dma_wait3A_445 = arith.constant 128 : i32
      %dma_wait3A_446 = tpu.memref_slice %arg6[%add3A_407, %dma_wait3A_445] : memref<128x200xi32, #tpu.memory_space<vmem>> -> memref<1x72xi32, #tpu.memory_space<vmem>>
      %dma_wait3A_447 = tpu.memref_squeeze %dma_wait3A_446 : memref<1x72xi32, #tpu.memory_space<vmem>> -> memref<72xi32, #tpu.memory_space<vmem>>
      %dma_wait3A_448 = arith.constant 0 : i32
      %dma_wait3A_449 = arith.constant 0 : i32
      %dma_wait3A_450 = tpu.memref_slice %arg3[%dma_wait3A_448, %dma_wait3A_449] : memref<1000000x64xf32, #tpu.memory_space<hbm>> -> memref<1000000x64xf32, #tpu.memory_space<hbm>>
      %dma_wait3A_451 = tpu.memref_slice %arg9[%dma_wait3A_440] : memref<4x!tpu.dma_semaphore, #tpu.memory_space<semaphore_mem>> -> memref<1x!tpu.dma_semaphore, #tpu.memory_space<semaphore_mem>>
      %dma_wait3A_452 = tpu.memref_squeeze %dma_wait3A_451 : memref<1x!tpu.dma_semaphore, #tpu.memory_space<semaphore_mem>> -> memref<!tpu.dma_semaphore, #tpu.memory_space<semaphore_mem>>
      tpu.wait_indirect_dma semaphore(%dma_wait3A_452 : memref<!tpu.dma_semaphore, #tpu.memory_space<semaphore_mem>>) src(%dma_wait3A_450 : memref<1000000x64xf32, #tpu.memory_space<hbm>>) dst(%dma_wait3A_444 : memref<72x64xf32, #tpu.memory_space<vmem>>)
      %scan3A_453 = arith.constant 0 : i32
      %scan3A_454 = arith.constant 0 : i32
      %scan3A_455 = arith.constant 100 : i32
      %scan3A_456 = arith.addi %scan3A_454, %scan3A_455 : i32
      %scan3A_457 = arith.constant 1 : i32
      %scan3A_458 = scf.for %scan3A_482 = %scan3A_454 to %scan3A_456 step %scan3A_457 iter_args(%scan3A_483 = %scan3A_453) -> (i32)  : i32 {
        %mul3A_484 = arith.constant 2 : i32
        %mul3A_485 = arith.muli %mul3A_484, %scan3A_482 : i32
        %add3A_486 = arith.constant 0 : i32
        %add3A_487 = arith.addi %mul3A_485, %add3A_486 : i32
        %get3A = arith.constant 3 : i32
        %get3A_488 = arith.index_cast %get3A : i32 to index
        %get3A_489 = arith.index_cast %add3A_487 : i32 to index
        %get3A_490 = arith.constant 0 : index
        %get3A_491 = tpu.vector_load %arg7[%get3A_488, %get3A_489, %get3A_490] {strides = array<i32>} : memref<4x200x64xf32, #tpu.memory_space<vmem>>, vector<1x1x16xf32>,
        %get3A_492 = vector.shape_cast %get3A_491 : vector<1x1x16xf32> to vector<16xf32>
        %get3A_493 = arith.index_cast %add3A_487 : i32 to index
        %get3A_494 = arith.constant 0 : index
        %get3A_495 = tpu.vector_load %arg8[%get3A_493, %get3A_494] {strides = array<i32>} : memref<200x64xf32, #tpu.memory_space<vmem>>, vector<1x16xf32>,
        %get3A_496 = vector.shape_cast %get3A_495 : vector<1x16xf32> to vector<16xf32>
        %add3A_497 = arith.addf %get3A_492, %get3A_496 : vector<16xf32>
        %swap3A = arith.constant 3 : i32
        %swap3A_498 = arith.index_cast %swap3A : i32 to index
        %swap3A_499 = arith.index_cast %add3A_487 : i32 to index
        %swap3A_500 = arith.constant 0 : index
        %swap3A_501 = tpu.vector_load %arg7[%swap3A_498, %swap3A_499, %swap3A_500] {strides = array<i32>} : memref<4x200x64xf32, #tpu.memory_space<vmem>>, vector<1x1x16xf32>,
        %swap3A_502 = vector.shape_cast %swap3A_501 : vector<1x1x16xf32> to vector<16xf32>
        %swap3A_503 = vector.shape_cast %add3A_497 : vector<16xf32> to vector<1x1x16xf32>
        tpu.vector_store %arg7[%swap3A_498, %swap3A_499, %swap3A_500], %swap3A_503 {strides = array<i32>} : memref<4x200x64xf32, #tpu.memory_space<vmem>>, vector<1x1x16xf32>,
        %get3A_504 = arith.constant 3 : i32
        %get3A_505 = arith.index_cast %get3A_504 : i32 to index
        %get3A_506 = arith.index_cast %add3A_487 : i32 to index
        %get3A_507 = arith.constant 16 : index
        %get3A_508 = tpu.vector_load %arg7[%get3A_505, %get3A_506, %get3A_507] {strides = array<i32>} : memref<4x200x64xf32, #tpu.memory_space<vmem>>, vector<1x1x16xf32>,
        %get3A_509 = vector.shape_cast %get3A_508 : vector<1x1x16xf32> to vector<16xf32>
        %get3A_510 = arith.index_cast %add3A_487 : i32 to index
        %get3A_511 = arith.constant 16 : index
        %get3A_512 = tpu.vector_load %arg8[%get3A_510, %get3A_511] {strides = array<i32>} : memref<200x64xf32, #tpu.memory_space<vmem>>, vector<1x16xf32>,
        %get3A_513 = vector.shape_cast %get3A_512 : vector<1x16xf32> to vector<16xf32>
        %add3A_514 = arith.addf %get3A_509, %get3A_513 : vector<16xf32>
        %swap3A_515 = arith.constant 3 : i32
        %swap3A_516 = arith.index_cast %swap3A_515 : i32 to index
        %swap3A_517 = arith.index_cast %add3A_487 : i32 to index
        %swap3A_518 = arith.constant 16 : index
        %swap3A_519 = tpu.vector_load %arg7[%swap3A_516, %swap3A_517, %swap3A_518] {strides = array<i32>} : memref<4x200x64xf32, #tpu.memory_space<vmem>>, vector<1x1x16xf32>,
        %swap3A_520 = vector.shape_cast %swap3A_519 : vector<1x1x16xf32> to vector<16xf32>
        %swap3A_521 = vector.shape_cast %add3A_514 : vector<16xf32> to vector<1x1x16xf32>
        tpu.vector_store %arg7[%swap3A_516, %swap3A_517, %swap3A_518], %swap3A_521 {strides = array<i32>} : memref<4x200x64xf32, #tpu.memory_space<vmem>>, vector<1x1x16xf32>,
        %get3A_522 = arith.constant 3 : i32
        %get3A_523 = arith.index_cast %get3A_522 : i32 to index
        %get3A_524 = arith.index_cast %add3A_487 : i32 to index
        %get3A_525 = arith.constant 32 : index
        %get3A_526 = tpu.vector_load %arg7[%get3A_523, %get3A_524, %get3A_525] {strides = array<i32>} : memref<4x200x64xf32, #tpu.memory_space<vmem>>, vector<1x1x16xf32>,
        %get3A_527 = vector.shape_cast %get3A_526 : vector<1x1x16xf32> to vector<16xf32>
        %get3A_528 = arith.index_cast %add3A_487 : i32 to index
        %get3A_529 = arith.constant 32 : index
        %get3A_530 = tpu.vector_load %arg8[%get3A_528, %get3A_529] {strides = array<i32>} : memref<200x64xf32, #tpu.memory_space<vmem>>, vector<1x16xf32>,
        %get3A_531 = vector.shape_cast %get3A_530 : vector<1x16xf32> to vector<16xf32>
        %add3A_532 = arith.addf %get3A_527, %get3A_531 : vector<16xf32>
        %swap3A_533 = arith.constant 3 : i32
        %swap3A_534 = arith.index_cast %swap3A_533 : i32 to index
        %swap3A_535 = arith.index_cast %add3A_487 : i32 to index
        %swap3A_536 = arith.constant 32 : index
        %swap3A_537 = tpu.vector_load %arg7[%swap3A_534, %swap3A_535, %swap3A_536] {strides = array<i32>} : memref<4x200x64xf32, #tpu.memory_space<vmem>>, vector<1x1x16xf32>,
        %swap3A_538 = vector.shape_cast %swap3A_537 : vector<1x1x16xf32> to vector<16xf32>
        %swap3A_539 = vector.shape_cast %add3A_532 : vector<16xf32> to vector<1x1x16xf32>
        tpu.vector_store %arg7[%swap3A_534, %swap3A_535, %swap3A_536], %swap3A_539 {strides = array<i32>} : memref<4x200x64xf32, #tpu.memory_space<vmem>>, vector<1x1x16xf32>,
        %get3A_540 = arith.constant 3 : i32
        %get3A_541 = arith.index_cast %get3A_540 : i32 to index
        %get3A_542 = arith.index_cast %add3A_487 : i32 to index
        %get3A_543 = arith.constant 48 : index
        %get3A_544 = tpu.vector_load %arg7[%get3A_541, %get3A_542, %get3A_543] {strides = array<i32>} : memref<4x200x64xf32, #tpu.memory_space<vmem>>, vector<1x1x16xf32>,
        %get3A_545 = vector.shape_cast %get3A_544 : vector<1x1x16xf32> to vector<16xf32>
        %get3A_546 = arith.index_cast %add3A_487 : i32 to index
        %get3A_547 = arith.constant 48 : index
        %get3A_548 = tpu.vector_load %arg8[%get3A_546, %get3A_547] {strides = array<i32>} : memref<200x64xf32, #tpu.memory_space<vmem>>, vector<1x16xf32>,
        %get3A_549 = vector.shape_cast %get3A_548 : vector<1x16xf32> to vector<16xf32>
        %add3A_550 = arith.addf %get3A_545, %get3A_549 : vector<16xf32>
        %swap3A_551 = arith.constant 3 : i32
        %swap3A_552 = arith.index_cast %swap3A_551 : i32 to index
        %swap3A_553 = arith.index_cast %add3A_487 : i32 to index
        %swap3A_554 = arith.constant 48 : index
        %swap3A_555 = tpu.vector_load %arg7[%swap3A_552, %swap3A_553, %swap3A_554] {strides = array<i32>} : memref<4x200x64xf32, #tpu.memory_space<vmem>>, vector<1x1x16xf32>,
        %swap3A_556 = vector.shape_cast %swap3A_555 : vector<1x1x16xf32> to vector<16xf32>
        %swap3A_557 = vector.shape_cast %add3A_550 : vector<16xf32> to vector<1x1x16xf32>
        tpu.vector_store %arg7[%swap3A_552, %swap3A_553, %swap3A_554], %swap3A_557 {strides = array<i32>} : memref<4x200x64xf32, #tpu.memory_space<vmem>>, vector<1x1x16xf32>,
        %mul3A_558 = arith.constant 2 : i32
        %mul3A_559 = arith.muli %mul3A_558, %scan3A_482 : i32
        %add3A_560 = arith.constant 1 : i32
        %add3A_561 = arith.addi %mul3A_559, %add3A_560 : i32
        %get3A_562 = arith.constant 3 : i32
        %get3A_563 = arith.index_cast %get3A_562 : i32 to index
        %get3A_564 = arith.index_cast %add3A_561 : i32 to index
        %get3A_565 = arith.constant 0 : index
        %get3A_566 = tpu.vector_load %arg7[%get3A_563, %get3A_564, %get3A_565] {strides = array<i32>} : memref<4x200x64xf32, #tpu.memory_space<vmem>>, vector<1x1x16xf32>,
        %get3A_567 = vector.shape_cast %get3A_566 : vector<1x1x16xf32> to vector<16xf32>
        %get3A_568 = arith.index_cast %add3A_561 : i32 to index
        %get3A_569 = arith.constant 0 : index
        %get3A_570 = tpu.vector_load %arg8[%get3A_568, %get3A_569] {strides = array<i32>} : memref<200x64xf32, #tpu.memory_space<vmem>>, vector<1x16xf32>,
        %get3A_571 = vector.shape_cast %get3A_570 : vector<1x16xf32> to vector<16xf32>
        %add3A_572 = arith.addf %get3A_567, %get3A_571 : vector<16xf32>
        %swap3A_573 = arith.constant 3 : i32
        %swap3A_574 = arith.index_cast %swap3A_573 : i32 to index
        %swap3A_575 = arith.index_cast %add3A_561 : i32 to index
        %swap3A_576 = arith.constant 0 : index
        %swap3A_577 = tpu.vector_load %arg7[%swap3A_574, %swap3A_575, %swap3A_576] {strides = array<i32>} : memref<4x200x64xf32, #tpu.memory_space<vmem>>, vector<1x1x16xf32>,
        %swap3A_578 = vector.shape_cast %swap3A_577 : vector<1x1x16xf32> to vector<16xf32>
        %swap3A_579 = vector.shape_cast %add3A_572 : vector<16xf32> to vector<1x1x16xf32>
        tpu.vector_store %arg7[%swap3A_574, %swap3A_575, %swap3A_576], %swap3A_579 {strides = array<i32>} : memref<4x200x64xf32, #tpu.memory_space<vmem>>, vector<1x1x16xf32>,
        %get3A_580 = arith.constant 3 : i32
        %get3A_581 = arith.index_cast %get3A_580 : i32 to index
        %get3A_582 = arith.index_cast %add3A_561 : i32 to index
        %get3A_583 = arith.constant 16 : index
        %get3A_584 = tpu.vector_load %arg7[%get3A_581, %get3A_582, %get3A_583] {strides = array<i32>} : memref<4x200x64xf32, #tpu.memory_space<vmem>>, vector<1x1x16xf32>,
        %get3A_585 = vector.shape_cast %get3A_584 : vector<1x1x16xf32> to vector<16xf32>
        %get3A_586 = arith.index_cast %add3A_561 : i32 to index
        %get3A_587 = arith.constant 16 : index
        %get3A_588 = tpu.vector_load %arg8[%get3A_586, %get3A_587] {strides = array<i32>} : memref<200x64xf32, #tpu.memory_space<vmem>>, vector<1x16xf32>,
        %get3A_589 = vector.shape_cast %get3A_588 : vector<1x16xf32> to vector<16xf32>
        %add3A_590 = arith.addf %get3A_585, %get3A_589 : vector<16xf32>
        %swap3A_591 = arith.constant 3 : i32
        %swap3A_592 = arith.index_cast %swap3A_591 : i32 to index
        %swap3A_593 = arith.index_cast %add3A_561 : i32 to index
        %swap3A_594 = arith.constant 16 : index
        %swap3A_595 = tpu.vector_load %arg7[%swap3A_592, %swap3A_593, %swap3A_594] {strides = array<i32>} : memref<4x200x64xf32, #tpu.memory_space<vmem>>, vector<1x1x16xf32>,
        %swap3A_596 = vector.shape_cast %swap3A_595 : vector<1x1x16xf32> to vector<16xf32>
        %swap3A_597 = vector.shape_cast %add3A_590 : vector<16xf32> to vector<1x1x16xf32>
        tpu.vector_store %arg7[%swap3A_592, %swap3A_593, %swap3A_594], %swap3A_597 {strides = array<i32>} : memref<4x200x64xf32, #tpu.memory_space<vmem>>, vector<1x1x16xf32>,
        %get3A_598 = arith.constant 3 : i32
        %get3A_599 = arith.index_cast %get3A_598 : i32 to index
        %get3A_600 = arith.index_cast %add3A_561 : i32 to index
        %get3A_601 = arith.constant 32 : index
        %get3A_602 = tpu.vector_load %arg7[%get3A_599, %get3A_600, %get3A_601] {strides = array<i32>} : memref<4x200x64xf32, #tpu.memory_space<vmem>>, vector<1x1x16xf32>,
        %get3A_603 = vector.shape_cast %get3A_602 : vector<1x1x16xf32> to vector<16xf32>
        %get3A_604 = arith.index_cast %add3A_561 : i32 to index
        %get3A_605 = arith.constant 32 : index
        %get3A_606 = tpu.vector_load %arg8[%get3A_604, %get3A_605] {strides = array<i32>} : memref<200x64xf32, #tpu.memory_space<vmem>>, vector<1x16xf32>,
        %get3A_607 = vector.shape_cast %get3A_606 : vector<1x16xf32> to vector<16xf32>
        %add3A_608 = arith.addf %get3A_603, %get3A_607 : vector<16xf32>
        %swap3A_609 = arith.constant 3 : i32
        %swap3A_610 = arith.index_cast %swap3A_609 : i32 to index
        %swap3A_611 = arith.index_cast %add3A_561 : i32 to index
        %swap3A_612 = arith.constant 32 : index
        %swap3A_613 = tpu.vector_load %arg7[%swap3A_610, %swap3A_611, %swap3A_612] {strides = array<i32>} : memref<4x200x64xf32, #tpu.memory_space<vmem>>, vector<1x1x16xf32>,
        %swap3A_614 = vector.shape_cast %swap3A_613 : vector<1x1x16xf32> to vector<16xf32>
        %swap3A_615 = vector.shape_cast %add3A_608 : vector<16xf32> to vector<1x1x16xf32>
        tpu.vector_store %arg7[%swap3A_610, %swap3A_611, %swap3A_612], %swap3A_615 {strides = array<i32>} : memref<4x200x64xf32, #tpu.memory_space<vmem>>, vector<1x1x16xf32>,
        %get3A_616 = arith.constant 3 : i32
        %get3A_617 = arith.index_cast %get3A_616 : i32 to index
        %get3A_618 = arith.index_cast %add3A_561 : i32 to index
        %get3A_619 = arith.constant 48 : index
        %get3A_620 = tpu.vector_load %arg7[%get3A_617, %get3A_618, %get3A_619] {strides = array<i32>} : memref<4x200x64xf32, #tpu.memory_space<vmem>>, vector<1x1x16xf32>,
        %get3A_621 = vector.shape_cast %get3A_620 : vector<1x1x16xf32> to vector<16xf32>
        %get3A_622 = arith.index_cast %add3A_561 : i32 to index
        %get3A_623 = arith.constant 48 : index
        %get3A_624 = tpu.vector_load %arg8[%get3A_622, %get3A_623] {strides = array<i32>} : memref<200x64xf32, #tpu.memory_space<vmem>>, vector<1x16xf32>,
        %get3A_625 = vector.shape_cast %get3A_624 : vector<1x16xf32> to vector<16xf32>
        %add3A_626 = arith.addf %get3A_621, %get3A_625 : vector<16xf32>
        %swap3A_627 = arith.constant 3 : i32
        %swap3A_628 = arith.index_cast %swap3A_627 : i32 to index
        %swap3A_629 = arith.index_cast %add3A_561 : i32 to index
        %swap3A_630 = arith.constant 48 : index
        %swap3A_631 = tpu.vector_load %arg7[%swap3A_628, %swap3A_629, %swap3A_630] {strides = array<i32>} : memref<4x200x64xf32, #tpu.memory_space<vmem>>, vector<1x1x16xf32>,
        %swap3A_632 = vector.shape_cast %swap3A_631 : vector<1x1x16xf32> to vector<16xf32>
        %swap3A_633 = vector.shape_cast %add3A_626 : vector<16xf32> to vector<1x1x16xf32>
        tpu.vector_store %arg7[%swap3A_628, %swap3A_629, %swap3A_630], %swap3A_633 {strides = array<i32>} : memref<4x200x64xf32, #tpu.memory_space<vmem>>, vector<1x1x16xf32>,
        %scan3A_634 = arith.constant 0 : i32
        scf.yield %scan3A_634 : i32
      }
      %scan3A_459 = arith.constant 100 : i32
      %add3A_460 = arith.addi %mul3A_2, %add3A_407 : i32
      %dma_start3A_461 = arith.constant 3 : i32
      %dma_start3A_462 = arith.constant 3 : i32
      %dma_start3A_463 = arith.constant 0 : i32
      %dma_start3A_464 = arith.constant 0 : i32
      %dma_start3A_465 = tpu.memref_slice %arg7[%dma_start3A_461, %dma_start3A_463, %dma_start3A_464] : memref<4x200x64xf32, #tpu.memory_space<vmem>> -> memref<1x200x64xf32, #tpu.memory_space<vmem>>
      %dma_start3A_466 = tpu.memref_squeeze %dma_start3A_465 : memref<1x200x64xf32, #tpu.memory_space<vmem>> -> memref<200x64xf32, #tpu.memory_space<vmem>>
      %dma_start3A_467 = arith.constant 0 : i32
      %dma_start3A_468 = arith.constant 0 : i32
      %dma_start3A_469 = tpu.memref_slice %arg5[%add3A_460, %dma_start3A_467, %dma_start3A_468] : memref<4096x200x64xf32, #tpu.memory_space<hbm>> -> memref<1x200x64xf32, #tpu.memory_space<hbm>>
      %dma_start3A_470 = tpu.memref_squeeze %dma_start3A_469 : memref<1x200x64xf32, #tpu.memory_space<hbm>> -> memref<200x64xf32, #tpu.memory_space<hbm>>
      %dma_start3A_471 = tpu.memref_slice %arg10[%dma_start3A_462] : memref<4x!tpu.dma_semaphore, #tpu.memory_space<semaphore_mem>> -> memref<1x!tpu.dma_semaphore, #tpu.memory_space<semaphore_mem>>
      %dma_start3A_472 = tpu.memref_squeeze %dma_start3A_471 : memref<1x!tpu.dma_semaphore, #tpu.memory_space<semaphore_mem>> -> memref<!tpu.dma_semaphore, #tpu.memory_space<semaphore_mem>>
      %dma_start3A_473 = arith.constant 0 : i32
      %dma_start3A_474 = arith.constant 0 : i32
      %dma_start3A_475 = tpu.memref_slice %arg5[%add3A_460, %dma_start3A_473, %dma_start3A_474] : memref<4096x200x64xf32, #tpu.memory_space<hbm>> -> memref<1x200x64xf32, #tpu.memory_space<hbm>>
      %dma_start3A_476 = tpu.memref_squeeze %dma_start3A_475 : memref<1x200x64xf32, #tpu.memory_space<hbm>> -> memref<200x64xf32, #tpu.memory_space<hbm>>
      %dma_start3A_477 = arith.constant 0 : i32
      %dma_start3A_478 = arith.constant 0 : i32
      %dma_start3A_479 = tpu.memref_slice %arg7[%dma_start3A_461, %dma_start3A_477, %dma_start3A_478] : memref<4x200x64xf32, #tpu.memory_space<vmem>> -> memref<1x200x64xf32, #tpu.memory_space<vmem>>
      %dma_start3A_480 = tpu.memref_squeeze %dma_start3A_479 : memref<1x200x64xf32, #tpu.memory_space<vmem>> -> memref<200x64xf32, #tpu.memory_space<vmem>>
      tpu.enqueue_dma source(%dma_start3A_480 : memref<200x64xf32, #tpu.memory_space<vmem>>) target(%dma_start3A_476 : memref<200x64xf32, #tpu.memory_space<hbm>>) target_semaphore(%dma_start3A_472 : memref<!tpu.dma_semaphore, #tpu.memory_space<semaphore_mem>>)
      %scan3A_481 = arith.constant 0 : i32
      scf.yield %scan3A_481 : i32
    }
    %scan3A_97 = arith.constant 32 : i32
    %dma_wait3A = arith.constant 0 : i32
    %dma_wait3A_98 = arith.constant 0 : i32
    %dma_wait3A_99 = arith.constant 0 : i32
    %dma_wait3A_100 = arith.constant 0 : i32
    %dma_wait3A_101 = tpu.memref_slice %arg7[%dma_wait3A, %dma_wait3A_99, %dma_wait3A_100] : memref<4x200x64xf32, #tpu.memory_space<vmem>> -> memref<1x200x64xf32, #tpu.memory_space<vmem>>
    %dma_wait3A_102 = tpu.memref_squeeze %dma_wait3A_101 : memref<1x200x64xf32, #tpu.memory_space<vmem>> -> memref<200x64xf32, #tpu.memory_space<vmem>>
    %dma_wait3A_103 = arith.constant 0 : i32
    %dma_wait3A_104 = arith.constant 0 : i32
    %dma_wait3A_105 = tpu.memref_slice %arg5[%mul3A_2, %dma_wait3A_103, %dma_wait3A_104] : memref<4096x200x64xf32, #tpu.memory_space<hbm>> -> memref<1x200x64xf32, #tpu.memory_space<hbm>>
    %dma_wait3A_106 = tpu.memref_squeeze %dma_wait3A_105 : memref<1x200x64xf32, #tpu.memory_space<hbm>> -> memref<200x64xf32, #tpu.memory_space<hbm>>
    %dma_wait3A_107 = tpu.memref_slice %arg10[%dma_wait3A_98] : memref<4x!tpu.dma_semaphore, #tpu.memory_space<semaphore_mem>> -> memref<1x!tpu.dma_semaphore, #tpu.memory_space<semaphore_mem>>
    %dma_wait3A_108 = tpu.memref_squeeze %dma_wait3A_107 : memref<1x!tpu.dma_semaphore, #tpu.memory_space<semaphore_mem>> -> memref<!tpu.dma_semaphore, #tpu.memory_space<semaphore_mem>>
    %dma_wait3A_109 = arith.constant 0 : i32
    %dma_wait3A_110 = arith.constant 0 : i32
    %dma_wait3A_111 = tpu.memref_slice %arg5[%mul3A_2, %dma_wait3A_109, %dma_wait3A_110] : memref<4096x200x64xf32, #tpu.memory_space<hbm>> -> memref<1x200x64xf32, #tpu.memory_space<hbm>>
    %dma_wait3A_112 = tpu.memref_squeeze %dma_wait3A_111 : memref<1x200x64xf32, #tpu.memory_space<hbm>> -> memref<200x64xf32, #tpu.memory_space<hbm>>
    %dma_wait3A_113 = arith.constant 0 : i32
    %dma_wait3A_114 = arith.constant 0 : i32
    %dma_wait3A_115 = tpu.memref_slice %arg7[%dma_wait3A, %dma_wait3A_113, %dma_wait3A_114] : memref<4x200x64xf32, #tpu.memory_space<vmem>> -> memref<1x200x64xf32, #tpu.memory_space<vmem>>
    %dma_wait3A_116 = tpu.memref_squeeze %dma_wait3A_115 : memref<1x200x64xf32, #tpu.memory_space<vmem>> -> memref<200x64xf32, #tpu.memory_space<vmem>>
    tpu.wait_dma2 semaphore(%dma_wait3A_108 : memref<!tpu.dma_semaphore, #tpu.memory_space<semaphore_mem>>) src(%dma_wait3A_116 : memref<200x64xf32, #tpu.memory_space<vmem>>) dst(%dma_wait3A_112 : memref<200x64xf32, #tpu.memory_space<hbm>>)
    %dma_wait3A_117 = arith.constant 1 : i32
    %dma_wait3A_118 = arith.constant 1 : i32
    %dma_wait3A_119 = arith.constant 0 : i32
    %dma_wait3A_120 = arith.constant 0 : i32
    %dma_wait3A_121 = tpu.memref_slice %arg7[%dma_wait3A_117, %dma_wait3A_119, %dma_wait3A_120] : memref<4x200x64xf32, #tpu.memory_space<vmem>> -> memref<1x200x64xf32, #tpu.memory_space<vmem>>
    %dma_wait3A_122 = tpu.memref_squeeze %dma_wait3A_121 : memref<1x200x64xf32, #tpu.memory_space<vmem>> -> memref<200x64xf32, #tpu.memory_space<vmem>>
    %dma_wait3A_123 = arith.constant 0 : i32
    %dma_wait3A_124 = arith.constant 0 : i32
    %dma_wait3A_125 = tpu.memref_slice %arg5[%mul3A_2, %dma_wait3A_123, %dma_wait3A_124] : memref<4096x200x64xf32, #tpu.memory_space<hbm>> -> memref<1x200x64xf32, #tpu.memory_space<hbm>>
    %dma_wait3A_126 = tpu.memref_squeeze %dma_wait3A_125 : memref<1x200x64xf32, #tpu.memory_space<hbm>> -> memref<200x64xf32, #tpu.memory_space<hbm>>
    %dma_wait3A_127 = tpu.memref_slice %arg10[%dma_wait3A_118] : memref<4x!tpu.dma_semaphore, #tpu.memory_space<semaphore_mem>> -> memref<1x!tpu.dma_semaphore, #tpu.memory_space<semaphore_mem>>
    %dma_wait3A_128 = tpu.memref_squeeze %dma_wait3A_127 : memref<1x!tpu.dma_semaphore, #tpu.memory_space<semaphore_mem>> -> memref<!tpu.dma_semaphore, #tpu.memory_space<semaphore_mem>>
    %dma_wait3A_129 = arith.constant 0 : i32
    %dma_wait3A_130 = arith.constant 0 : i32
    %dma_wait3A_131 = tpu.memref_slice %arg5[%mul3A_2, %dma_wait3A_129, %dma_wait3A_130] : memref<4096x200x64xf32, #tpu.memory_space<hbm>> -> memref<1x200x64xf32, #tpu.memory_space<hbm>>
    %dma_wait3A_132 = tpu.memref_squeeze %dma_wait3A_131 : memref<1x200x64xf32, #tpu.memory_space<hbm>> -> memref<200x64xf32, #tpu.memory_space<hbm>>
    %dma_wait3A_133 = arith.constant 0 : i32
    %dma_wait3A_134 = arith.constant 0 : i32
    %dma_wait3A_135 = tpu.memref_slice %arg7[%dma_wait3A_117, %dma_wait3A_133, %dma_wait3A_134] : memref<4x200x64xf32, #tpu.memory_space<vmem>> -> memref<1x200x64xf32, #tpu.memory_space<vmem>>
    %dma_wait3A_136 = tpu.memref_squeeze %dma_wait3A_135 : memref<1x200x64xf32, #tpu.memory_space<vmem>> -> memref<200x64xf32, #tpu.memory_space<vmem>>
    tpu.wait_dma2 semaphore(%dma_wait3A_128 : memref<!tpu.dma_semaphore, #tpu.memory_space<semaphore_mem>>) src(%dma_wait3A_136 : memref<200x64xf32, #tpu.memory_space<vmem>>) dst(%dma_wait3A_132 : memref<200x64xf32, #tpu.memory_space<hbm>>)
    %dma_wait3A_137 = arith.constant 2 : i32
    %dma_wait3A_138 = arith.constant 2 : i32
    %dma_wait3A_139 = arith.constant 0 : i32
    %dma_wait3A_140 = arith.constant 0 : i32
    %dma_wait3A_141 = tpu.memref_slice %arg7[%dma_wait3A_137, %dma_wait3A_139, %dma_wait3A_140] : memref<4x200x64xf32, #tpu.memory_space<vmem>> -> memref<1x200x64xf32, #tpu.memory_space<vmem>>
    %dma_wait3A_142 = tpu.memref_squeeze %dma_wait3A_141 : memref<1x200x64xf32, #tpu.memory_space<vmem>> -> memref<200x64xf32, #tpu.memory_space<vmem>>
    %dma_wait3A_143 = arith.constant 0 : i32
    %dma_wait3A_144 = arith.constant 0 : i32
    %dma_wait3A_145 = tpu.memref_slice %arg5[%mul3A_2, %dma_wait3A_143, %dma_wait3A_144] : memref<4096x200x64xf32, #tpu.memory_space<hbm>> -> memref<1x200x64xf32, #tpu.memory_space<hbm>>
    %dma_wait3A_146 = tpu.memref_squeeze %dma_wait3A_145 : memref<1x200x64xf32, #tpu.memory_space<hbm>> -> memref<200x64xf32, #tpu.memory_space<hbm>>
    %dma_wait3A_147 = tpu.memref_slice %arg10[%dma_wait3A_138] : memref<4x!tpu.dma_semaphore, #tpu.memory_space<semaphore_mem>> -> memref<1x!tpu.dma_semaphore, #tpu.memory_space<semaphore_mem>>
    %dma_wait3A_148 = tpu.memref_squeeze %dma_wait3A_147 : memref<1x!tpu.dma_semaphore, #tpu.memory_space<semaphore_mem>> -> memref<!tpu.dma_semaphore, #tpu.memory_space<semaphore_mem>>
    %dma_wait3A_149 = arith.constant 0 : i32
    %dma_wait3A_150 = arith.constant 0 : i32
    %dma_wait3A_151 = tpu.memref_slice %arg5[%mul3A_2, %dma_wait3A_149, %dma_wait3A_150] : memref<4096x200x64xf32, #tpu.memory_space<hbm>> -> memref<1x200x64xf32, #tpu.memory_space<hbm>>
    %dma_wait3A_152 = tpu.memref_squeeze %dma_wait3A_151 : memref<1x200x64xf32, #tpu.memory_space<hbm>> -> memref<200x64xf32, #tpu.memory_space<hbm>>
    %dma_wait3A_153 = arith.constant 0 : i32
    %dma_wait3A_154 = arith.constant 0 : i32
    %dma_wait3A_155 = tpu.memref_slice %arg7[%dma_wait3A_137, %dma_wait3A_153, %dma_wait3A_154] : memref<4x200x64xf32, #tpu.memory_space<vmem>> -> memref<1x200x64xf32, #tpu.memory_space<vmem>>
    %dma_wait3A_156 = tpu.memref_squeeze %dma_wait3A_155 : memref<1x200x64xf32, #tpu.memory_space<vmem>> -> memref<200x64xf32, #tpu.memory_space<vmem>>
    tpu.wait_dma2 semaphore(%dma_wait3A_148 : memref<!tpu.dma_semaphore, #tpu.memory_space<semaphore_mem>>) src(%dma_wait3A_156 : memref<200x64xf32, #tpu.memory_space<vmem>>) dst(%dma_wait3A_152 : memref<200x64xf32, #tpu.memory_space<hbm>>)
    %dma_wait3A_157 = arith.constant 3 : i32
    %dma_wait3A_158 = arith.constant 3 : i32
    %dma_wait3A_159 = arith.constant 0 : i32
    %dma_wait3A_160 = arith.constant 0 : i32
    %dma_wait3A_161 = tpu.memref_slice %arg7[%dma_wait3A_157, %dma_wait3A_159, %dma_wait3A_160] : memref<4x200x64xf32, #tpu.memory_space<vmem>> -> memref<1x200x64xf32, #tpu.memory_space<vmem>>
    %dma_wait3A_162 = tpu.memref_squeeze %dma_wait3A_161 : memref<1x200x64xf32, #tpu.memory_space<vmem>> -> memref<200x64xf32, #tpu.memory_space<vmem>>
    %dma_wait3A_163 = arith.constant 0 : i32
    %dma_wait3A_164 = arith.constant 0 : i32
    %dma_wait3A_165 = tpu.memref_slice %arg5[%mul3A_2, %dma_wait3A_163, %dma_wait3A_164] : memref<4096x200x64xf32, #tpu.memory_space<hbm>> -> memref<1x200x64xf32, #tpu.memory_space<hbm>>
    %dma_wait3A_166 = tpu.memref_squeeze %dma_wait3A_165 : memref<1x200x64xf32, #tpu.memory_space<hbm>> -> memref<200x64xf32, #tpu.memory_space<hbm>>
    %dma_wait3A_167 = tpu.memref_slice %arg10[%dma_wait3A_158] : memref<4x!tpu.dma_semaphore, #tpu.memory_space<semaphore_mem>> -> memref<1x!tpu.dma_semaphore, #tpu.memory_space<semaphore_mem>>
    %dma_wait3A_168 = tpu.memref_squeeze %dma_wait3A_167 : memref<1x!tpu.dma_semaphore, #tpu.memory_space<semaphore_mem>> -> memref<!tpu.dma_semaphore, #tpu.memory_space<semaphore_mem>>
    %dma_wait3A_169 = arith.constant 0 : i32
    %dma_wait3A_170 = arith.constant 0 : i32
    %dma_wait3A_171 = tpu.memref_slice %arg5[%mul3A_2, %dma_wait3A_169, %dma_wait3A_170] : memref<4096x200x64xf32, #tpu.memory_space<hbm>> -> memref<1x200x64xf32, #tpu.memory_space<hbm>>
    %dma_wait3A_172 = tpu.memref_squeeze %dma_wait3A_171 : memref<1x200x64xf32, #tpu.memory_space<hbm>> -> memref<200x64xf32, #tpu.memory_space<hbm>>
    %dma_wait3A_173 = arith.constant 0 : i32
    %dma_wait3A_174 = arith.constant 0 : i32
    %dma_wait3A_175 = tpu.memref_slice %arg7[%dma_wait3A_157, %dma_wait3A_173, %dma_wait3A_174] : memref<4x200x64xf32, #tpu.memory_space<vmem>> -> memref<1x200x64xf32, #tpu.memory_space<vmem>>
    %dma_wait3A_176 = tpu.memref_squeeze %dma_wait3A_175 : memref<1x200x64xf32, #tpu.memory_space<vmem>> -> memref<200x64xf32, #tpu.memory_space<vmem>>
    tpu.wait_dma2 semaphore(%dma_wait3A_168 : memref<!tpu.dma_semaphore, #tpu.memory_space<semaphore_mem>>) src(%dma_wait3A_176 : memref<200x64xf32, #tpu.memory_space<vmem>>) dst(%dma_wait3A_172 : memref<200x64xf32, #tpu.memory_space<hbm>>)
    return
  }
}

</mosaic_0001>

<sc_bundles>
// kernel: kernel.3.cloned.1.call-start
scs
__scs_entry_jumppad:
0x0: {  	(pc) =	sbr.rel $0x88, $3  }
0x1: {  	(tag) =	ssettag $0x0;
	lr =	simm.s32 $0x1  }
0x2: {  	[smem:$0x3F9E] =	sst lr;
	_ =	strace $0xD0000000  }
0x3: {  	_ = 	snop  }
0x4: {  	_ = 	snop  }
0x5: {  	_ = 	snop  }
0x6: {  	_ = 	snop  }
0x7: {  	_ = 	snop  }
__scs_overlays_trampoline_lowered:
0x8: {  	[smem:$0x3FAD] =	sst s0  }
0x9: {  	[smem:$0x3FAE] =	sst s1  }
0xa: {  	[smem:$0x3FAF] =	sst s2  }
0xb: {  	[smem:$0x3FB0] =	sst s3  }
0xc: {  	[smem:$0x3FB1] =	sst s4  }
0xd: {  	[smem:$0x3FB2] =	sst s5  }
0xe: {  	[smem:$0x3FB3] =	sst s6  }
0xf: {  	[smem:$0x3FB4] =	sst s7  }
0x10: {  	[smem:$0x3FB5] =	sst s8  }
0x11: {  	[smem:$0x3FB6] =	sst s9;
	s0 =	simm.s32 @!p0 $0x0  }
0x12: {  	s1 =	sld [smem:$0x3F9C];
	s0 =	simm.s32 @p0 $0x1  }
0x13: {  	[smem:$0x3FB7] =	sst s0;
	s0 =	simm.s32 @!p1 $0x0  }
0x14: {  	s2 =	sld [smem:$0x3F9B];
	s0 =	simm.s32 @p1 $0x1  }
0x15: {  	[smem:$0x3FB8] =	sst s0;
	s0 =	simm.s32 @!p2 $0x0  }
0x16: {  	s3 =	sld [smem:$0x3FDB];
	s0 =	simm.s32 @p2 $0x1  }
0x17: {  	s4 =	simm.s32 $0x1BF5;
	[smem:$0x3FBA] =	sst s0  }
0x18: {  	s0 =	sld [smem:$0x3F9D];
	_ =	swait.ge [sflag:s4], $0x0  }
0x19: {  	s7 =	sld [smem:$0x3F9E]  }
0x1a: {  	s8 =	sadd.s32 $0xFFFFE003, lr  }
0x1b: {  	s9 =	sadd.s32 $0xFFFFFEF7, lr;
	s5 =	simm.s32 $0xFFFFFFFF;
	p2 =	slt.u32 s8, $0xFFFFF086  }
0x1c: {  	p1 =	slt.u32 s9, $0xF7A;
	s5 =	simm.s32 @!p2 $0x0  }
0x1d: {  	s5 =	simm.s32 @p1 $0x1;
	p0 =	seq.s32 s7, s2  }
0x1e: {  	s7 =	smul.u32 @!p0 $0xF7A, s2;
	p2 =	seq.s32 @!p0 s5, $0x0  }
0x1f: {  	s9 =	smul.u32 $0xF7A, s1;
	s8 =	simm.s32 @!p0 $0x1BF5;
	p2 =	por !p2, p0  }
0x20: {  	[sflag:s8] =	ssyncset.s32 @!p0 $0xFFFFF086;
	s6 =	sadd.s32 @!p0 s3, s7;
	s7 =	simm.s32 @!p0 $0x108  }
0x21: {  	s3 =	sadd.s32 s3, s9;
	s6 =	sadd.s32 @!p0 $0x88, s6;
	s7 =	simm.s32 @p2 $0x1082  }
0x22: {  	[simem:s7], [sflag:s8] =	dma.local @!p0 [hbm:s6], $0xF7A  }
0x23: {  	s9 =	sor.u32 $0xD0000000, s2;
	s6 =	simm.s32 $0x108;
	_ =	swait.ge @!p0 [sflag:s8], $0x0  }
0x24: {  	s3 =	sadd.s32 $0x88, s3;
	s6 =	simm.s32 @!p1 $0x1082;
	[sflag:s4] =	ssyncset.s32 $0xFFFFF086  }
0x25: {  	[simem:s6], [sflag:s4] =	dma.local [hbm:s3], $0xF7A  }
0x26: {  	[smem:$0x3F9E] =	sst s1;
	(tag) =	ssettag s2;
	_ =	strace s9  }
0x27: {  	s1 =	sld [smem:$0x3FAE]  }
0x28: {  	s2 =	sld [smem:$0x3FAF]  }
0x29: {  	s4 =	sld [smem:$0x3FB1]  }
0x2a: {  	p0 =	seq.s32 s5, $0x0;
	s5 =	sld [smem:$0x3FB2]  }
0x2b: {  	s6 =	sld [smem:$0x3FB3]  }
0x2c: {  	s7 =	sld [smem:$0x3FB4]  }
0x2d: {  	s3 =	simm.s32 $0x108;
	s8 =	sld [smem:$0x3FB5]  }
0x2e: {  	s3 =	simm.s32 @!p0 $0x1082;
	s9 =	sld [smem:$0x3FB6]  }
0x2f: {  	lr =	sadd.s32 s0, s3;
	s0 =	sld [smem:$0x3FAD]  }
0x30: {  	s3 =	sld [smem:$0x3FB0]  }
0x31: {  	[smem:$0x3FB9] =	sst s10  }
0x32: {  	s10 =	sld [smem:$0x3FB7];
	_ =	sdelay $0x3  }
0x33: {  	p0 =	seq.s32 s10, $0x1;
	s10 =	sld [smem:$0x3FB9];
	_ =	sdelay $0x3  }
0x34: {  	[smem:$0x3FB9] =	sst s10  }
0x35: {  	s10 =	sld [smem:$0x3FB8];
	_ =	sdelay $0x3  }
0x36: {  	p1 =	seq.s32 s10, $0x1;
	s10 =	sld [smem:$0x3FB9];
	_ =	sdelay $0x3  }
0x37: {  	[smem:$0x3FB9] =	sst s10  }
0x38: {  	s10 =	sld [smem:$0x3FBA]  }
0x39: {  	_ = 	snop;
	(pc) =	sbr.ind lr, $3  }
0x3a: {  	_ = 	snop  }
0x3b: {  	_ = 	snop  }
0x3c: {  	p2 =	seq.s32 s10, $0x1;
	s10 =	sld [smem:$0x3FB9]  }
0x3d: {  	_ =	shalt  }
0x3e: {  	_ =	shalt  }
0x3f: {  	_ =	shalt  }
0x40: {  	_ =	shalt  }
0x41: {  	_ =	shalt  }
0x42: {  	_ =	shalt  }
0x43: {  	_ =	shalt  }
0x44: {  	_ =	shalt  }
0x45: {  	_ =	shalt  }
0x46: {  	_ =	shalt  }
0x47: {  	_ =	shalt  }
0x48: {  	_ =	shalt  }
0x49: {  	_ =	shalt  }
0x4a: {  	_ =	shalt  }
0x4b: {  	_ =	shalt  }
0x4c: {  	_ =	shalt  }
0x4d: {  	_ =	shalt  }
0x4e: {  	_ =	shalt  }
0x4f: {  	_ =	shalt  }
0x50: {  	_ =	shalt  }
0x51: {  	_ =	shalt  }
0x52: {  	_ =	shalt  }
0x53: {  	_ =	shalt  }
0x54: {  	_ =	shalt  }
0x55: {  	_ =	shalt  }
0x56: {  	_ =	shalt  }
0x57: {  	_ =	shalt  }
0x58: {  	_ =	shalt  }
0x59: {  	_ =	shalt  }
0x5a: {  	_ =	shalt  }
0x5b: {  	_ =	shalt  }
0x5c: {  	_ =	shalt  }
0x5d: {  	_ =	shalt  }
0x5e: {  	_ =	shalt  }
0x5f: {  	_ =	shalt  }
0x60: {  	_ =	shalt  }
0x61: {  	_ =	shalt  }
0x62: {  	_ =	shalt  }
0x63: {  	_ =	shalt  }
0x64: {  	_ =	shalt  }
0x65: {  	_ =	shalt  }
0x66: {  	_ =	shalt  }
0x67: {  	_ =	shalt  }
0x68: {  	_ =	shalt  }
0x69: {  	_ =	shalt  }
0x6a: {  	_ =	shalt  }
0x6b: {  	_ =	shalt  }
0x6c: {  	_ =	shalt  }
0x6d: {  	_ =	shalt  }
0x6e: {  	_ =	shalt  }
0x6f: {  	_ =	shalt  }
0x70: {  	_ =	shalt  }
0x71: {  	_ =	shalt  }
0x72: {  	_ =	shalt  }
0x73: {  	_ =	shalt  }
0x74: {  	_ =	shalt  }
0x75: {  	_ =	shalt  }
0x76: {  	_ =	shalt  }
0x77: {  	_ =	shalt  }
0x78: {  	_ =	shalt  }
0x79: {  	_ =	shalt  }
0x7a: {  	_ =	shalt  }
0x7b: {  	_ =	shalt  }
0x7c: {  	_ =	shalt  }
0x7d: {  	_ =	shalt  }
0x7e: {  	_ =	shalt  }
0x7f: {  	_ =	shalt  }
0x80: {  	_ =	shalt  }
0x81: {  	_ =	shalt  }
0x82: {  	_ =	shalt  }
0x83: {  	_ =	shalt  }
0x84: {  	_ =	shalt  }
0x85: {  	_ =	shalt  }
0x86: {  	_ =	shalt  }
0x87: {  	_ =	shalt  }
.Lfunc_end0:
.L_simem_size_0:
called_computation.1_lowered:
.L_overlay_start_0:
0x88: {  	s2 =	sld [smem:$0x3FD9]  }
0x89: {  	s3 =	sld [smem:$0x3FFE];
	_ =	sdelay $0x1  }
0x8a: {  	s1 =	srdreg.scid  }
0x8b: {  	s0 =	sand.u32 $0x1, s1  }
0x8c: {  	s17 =	sshll.u32 s0, $0xA;
	s2 =	sadd.s32 s3, s2  }
0x8d: {  	s2 =	sadd.s32 s2, s17  }
0x8e: {  	[smem:$0x3FC5] =	sst s2  }
0x8f: {  	_ = 	snop  }
0x90: {  	s2 =	sld [smem:$0x3FD0];
	(tm) =	ssettm $0x1  }
0x91: {  	s18 =	sld [smem:$0x3FFB];
	_ =	sdelay $0x3  }
0x92: {  	_ =	strace s18  }
0x93: {  	s3 =	sld [smem:$0x3FFC];
	_ =	sdelay $0x3  }
0x94: {  	_ =	strace s3  }
0x95: {  	s3 =	sld [smem:$0x3FFD];
	_ =	sdelay $0x3  }
0x96: {  	_ =	strace s3  }
0x97: {  	_ =	strace $0x8FFFFFFF  }
0x98: {  	s19 =	sld [smem:$0x3FDB];
	_ =	sdelay $0x1  }
0x99: {  	s4 =	simm.s32 $_scs_section_size  }
0x9a: {  	s5 =	simm.s32 $_size__tile_overlayer_lowered;
	s6 =	simm.s32 $_tile_overlayer_lowered  }
0x9b: {  	s22 =	simm.s32 $0x1BFF;
	s21 =	sshll.u32 s6, $0x1;
	s3 =	sadd.s32 s4, s19  }
0x9c: {  	s7 =	simm.s32 $0x0;
	s20 =	sshll.u32 s5, $0x1;
	s5 =	sadd.s32 s21, s3  }
0x9d: {  	[timem:s7], [sflag:s22] =	dma.local [hbm:s5], s20  }
0x9e: {  	_ =	swait.ge [sflag:s22], s20  }
0x9f: {  	s4 =	ssub.s32 $0x0, s20;
	[sflag:s22] =	ssyncset.done $0x0  }
0xa0: {  	[sflag:s22] =	ssyncadd.s32 s4;
	_ =	sdelay $0x1  }
0xa1: {  	s23 =	simm.s32 $0x1B8B  }
0xa2: {  	_ =	swait.ge [sflag:s23], $0x1  }
0xa3: {  	[sflag:s23] =	ssyncset.done $0x0  }
0xa4: {  	s25 =	simm.s32 $0x1B8E;
	s24 =	sld [smem:$0x3FFE];
	[sflag:s23] =	ssyncadd.s32 $0xFFFFFFFF  }
0xa5: {  	s26 =	simm.s32 $execute0_lowered;
	[smem:$0x3FD2] =	sst s25  }
0xa6: {  	s5 =	sshll.u32 s26, $0x1;
	_ =	strace $0x80000046;
	[dreg:$0x1] =	wrdreg $0xFFFFFFFF  }
0xa7: {  	s28 =	simm.s32 $_size_execute0_lowered;
	s3 =	sadd.s32 s3, s5;
	[dreg:$0x0] =	wrdreg $0x0  }
0xa8: {  	s5 =	sshll.u32 s28, $0x1;
	[dreg:$0x2] =	wrdreg s3  }
0xa9: {  	[dreg:$0x3] =	wrdreg s5  }
0xaa: {  	[dreg:$0x4] =	wrdreg $0xC0  }
0xab: {  	_ =	task [dreg:s7], $0x5FFFF  }
0xac: {  	[dreg:$0x1] =	wrdreg $0xFFFFFFFF  }
0xad: {  	[dreg:$0x0] =	wrdreg $0x60  }
0xae: {  	[dreg:$0x2] =	wrdreg s24  }
0xaf: {  	[dreg:$0x3] =	wrdreg s2  }
0xb0: {  	[dreg:$0x4] =	wrdreg $0x9  }
0xb1: {  	_ =	task.clear_ibuf [dreg:s7], $0x5FFFF;
	_ =	strace $0x90000046  }
0xb2: {  	s29 =	simm.s32 $0x9;
	_ =	strace $0x80000048  }
0xb3: {  	_ =	swait.ge [sflag:s29], $0x1  }
0xb4: {  	[sflag:s29] =	ssyncadd.s32 $0xFFFFFFFF  }
0xb5: {  	_ =	strace $0x90000048  }
0xb6: {  	_ =	sfence  }
0xb7: {  	s30 =	sld [smem:$0x0];
	_ =	sdelay $0x2  }
0xb8: {  	s31 =	sshll.u32 s1, $0xD;
	s1 =	sshrl.u32 s1, $0x2  }
0xb9: {  	s3 =	sand.u32 $0x4000, s31;
	s1 =	sadd.s32 s1, s30  }
0xba: {  	s0 =	sor.u32 s3, s0;
	s1 =	sshll.u32 s1, $0x11  }
0xbb: {  	s0 =	sor.u32 s1, s0  }
0xbc: {  	s0 =	sadd.s32 $0x8F2B, s0  }
0xbd: {  	[sflag:s0] =	ssyncadd.remote.s32 $0x1  }
0xbe: {  	_ =	sfence.sel $0xFFFF  }
0xbf: {  	[dreg:$0x0] =	wrdreg $0xFFFFFFFF;
	(pc) =	sbr.abs _section_cstart, $3  }
0xc0: {  	[dreg:$0x1] =	wrdreg $0xFFFFFFFF  }
0xc1: {  	_ =	task.clear_ibuf [dreg:s7], $0x2FFFF;
	_ =	strace $0x9FFFFFFF  }
0xc2: {  	(tm) =	ssettm $0x7FFFFFFF  }
0xc3: {  	_ =	shalt  }
tec
execute0_lowered:
.L_overlay_start_1:
0x0: {  	(tag) =	ssettag $0x1  }
0x1: {  	s0 =	srdreg.scid;
	s2 =	stileid.u32  }
0x2: {  	s1 =	rddreg [dreg:$0x0];
	s10 =	simm.s32 $0x9;
	s11 =	simm.s32 $0x80  }
0x3: {  	s12 =	simm.s32 $0x6400;
	s13 =	simm.s32 $0x48;
	s16 =	simm.s32 $0x9600  }
0x4: {  	s20 =	simm.s32 $0xC800;
	s23 =	simm.s32 $0xFA00;
	s24 =	simm.s32 $0x11A00  }
0x5: {  	s25 =	simm.s32 $0x1;
	s26 =	simm.s32 $0x2;
	s28 =	simm.s32 $0x3  }
0x6: {  	s29 =	simm.s32 $0x4;
	s30 =	simm.s32 $0x5;
	s31 =	simm.s32 $0x6  }
0x7: {  	s9 =	simm.s32 $0x0;
	s0 =	sand.u32 $0x1, s0;
	s3 =	sshll.u32 s2, $0x8  }
0x8: {  	s2 =	rddreg [dreg:$0x1];
	s4 =	sshll.u32 s0, $0x7;
	s0 =	ssub.s32 $0x2, s0  }
0x9: {  	s3 =	sor.u32 s4, s3;
	s4 =	simm.s32 $0x0;
	s8 =	sshrl.u32 s0, $0x1  }
0xa: {  	s5 =	smul.u32 $0x19, s3;
	[smem:$0x7FF] =	sst s4;
	s0 =	ssub.s32 s0, s8  }
0xb: {  	_ =	strace $0x80000047;
	s8 =	smax.u32 s0, $0x1;
	s0 =	simm.s32 $0x8  }
0xc: {  	s7 =	sadd.s32 s5, s1;
	s5 =	sadd.s32 $0xF43000, s1;
	s1 =	sadd.s32 $0x19C00, s1  }
0xd: {  	[dreg:$0x3] =	wrdreg s1;
	s7 =	sadd.s32 $0xC00, s7;
	s1 =	simm.s32 $0x7  }
.LBB2_1:
0xe: {  	s6 =	rddreg [dreg:$0x3];
	s14 =	simm.s32 $0x12C00  }
0xf: {  	[tilespmem:s14], [sflag:$0x9] =	stream.linear.gather [hbm4b:s6+s4], $0x3200, $0x38;
	[tilespmem:$0x15E00] =	vst v63  }
0x10: {  	_ =	swait.ge [sflag:s10], $0x3200  }
0x11: {  	[sflag:s10] =	ssyncset.done $0x0  }
0x12: {  	[sflag:s10] =	ssyncadd.s32 $0xFFFFCE00  }
0x13: {  	[tilespmem:s4], [sflag:$0x9] =	stream.linear.gather [hbm4b:s7+s4], $0x6400, $0x38;
	[tilespmem:$0x15E00] =	vst v63  }
0x14: {  	_ =	swait.ge [sflag:s10], $0x6400  }
0x15: {  	[sflag:s10] =	ssyncset.done $0x0  }
0x16: {  	[sflag:s10] =	ssyncadd.s32 $0xFFFF9C00  }
0x17: {  	[tilespmem:s12], [sflag:$0x1] =	stream.indirect.gather [hbm4b:s5+s11], $0x40, s4, s11, $0xb8;
	[tilespmem:$0x15E00] =	vst v63  }
0x18: {  	s14 =	simm.s32 $0x8400  }
0x19: {  	[tilespmem:s14], [sflag:$0x1] =	stream.indirect.gather [hbm4b:s5+s13], $0x40, s11, s13, $0xb8;
	[tilespmem:$0x15E00] =	vst v63  }
0x1a: {  	s15 =	simm.s32 $0xC8  }
0x1b: {  	[tilespmem:s16], [sflag:$0x2] =	stream.indirect.gather [hbm4b:s5+s11], $0x40, s15, s11, $0xb8;
	[tilespmem:$0x15E00] =	vst v63  }
0x1c: {  	s17 =	simm.s32 $0x148;
	s18 =	simm.s32 $0xB600  }
0x1d: {  	[tilespmem:s18], [sflag:$0x2] =	stream.indirect.gather [hbm4b:s5+s13], $0x40, s17, s13, $0xb8;
	[tilespmem:$0x15E00] =	vst v63  }
0x1e: {  	s19 =	simm.s32 $0x190  }
0x1f: {  	[tilespmem:s20], [sflag:$0x3] =	stream.indirect.gather [hbm4b:s5+s11], $0x40, s19, s11, $0xb8;
	[tilespmem:$0x15E00] =	vst v63  }
0x20: {  	s21 =	simm.s32 $0x210;
	s22 =	simm.s32 $0xE800;
	s14 =	simm.s32 $0x0  }
0x21: {  	[tilespmem:s22], [sflag:$0x3] =	stream.indirect.gather [hbm4b:s5+s13], $0x40, s21, s13, $0xb8;
	[tilespmem:$0x15E00] =	vst v63  }
.LBB2_2:
0x22: {  	p0 =	seq.s32 s14, $0x0  }
0x23: {  	s15 =	sshllo.u32 s14, $0x2;
	s17 =	simm.s32 @!p0 $0x8  }
0x24: {  	s18 =	smul.u32 $0x320, s15;
	_ =	swait.ge @!p0 [sflag:s17], $0x3200  }
0x25: {  	[sflag:s17] =	ssyncset.done @!p0 $0x0  }
0x26: {  	s22 =	sshra.s32 s18, $0x2;
	[sflag:s17] =	ssyncadd.s32 @!p0 $0xFFFFCE00  }
0x27: {  	[tilespmem:s23], [sflag:$0x4] =	stream.indirect.gather [hbm4b:s5+s11], $0x40, s22, s11, $0xb8;
	[tilespmem:$0x15E00] =	vst v63  }
0x28: {  	s17 =	sadd.s32 $0x80, s22  }
0x29: {  	[tilespmem:s24], [sflag:$0x4] =	stream.indirect.gather [hbm4b:s5+s13], $0x40, s17, s13, $0xb8;
	[tilespmem:$0x15E00] =	vst v63  }
0x2a: {  	_ =	swait.ge [sflag:s25], $0x2000  }
0x2b: {  	[sflag:s25] =	ssyncset.done $0x0  }
0x2c: {  	[sflag:s25] =	ssyncadd.s32 $0xFFFFE000  }
0x2d: {  	_ =	swait.ge [sflag:s25], $0x1200  }
0x2e: {  	[sflag:s25] =	ssyncset.done $0x0  }
0x2f: {  	s17 =	simm.s32 $0x70;
	[sflag:s25] =	ssyncadd.s32 $0xFFFFEE00  }
0x30: {  	v7 =	vld [tilespmem:s17+$0x12B90]  }
0x31: {  	v11 =	vld [tilespmem:s17+$0x12BA0]  }
0x32: {  	v5 =	vld [tilespmem:s17+$0x12BB0]  }
0x33: {  	v4 =	vld [tilespmem:s17+$0x12BC0]  }
0x34: {  	v3 =	vld [tilespmem:s17+$0x12BD0]  }
0x35: {  	v2 =	vld [tilespmem:s17+$0x12BE0]  }
0x36: {  	v1 =	vld [tilespmem:s17+$0x12BF0]  }
0x37: {  	v0 =	vld [tilespmem:s17+$0x12C00]  }
0x38: {  	v12 =	vld [tilespmem:s17+$0x6390]  }
0x39: {  	v13 =	vld [tilespmem:s17+$0x63A0]  }
0x3a: {  	v10 =	vld [tilespmem:s17+$0x63B0]  }
0x3b: {  	v9 =	vld [tilespmem:s17+$0x63C0]  }
0x3c: {  	v8 =	vld [tilespmem:s17+$0x63D0]  }
0x3d: {  	v6 =	vld [tilespmem:s17+$0x63E0];
	v12 =	vadd.f32 v7, v12  }
0x3e: {  	s19 =	simm.s32 $0x3C0;
	s18 =	sshll.u32 s14, $0x2;
	v11 =	vadd.f32 v11, v13;
	v7 =	vld [tilespmem:s17+$0x63F0]  }
.LBB2_3:
0x3f: {  	s21 =	sshra.s32 s19, $0x2;
	p0 =	sne.s32 s19, $0xC7C0;
	[tilespmem:s17+$0x6390] =	vst v12;
	v5 =	vadd.f32 v5, v10;
	v10 =	vld [tilespmem:s17+$0x6400]  }
0x40: {  	v12 =	vld [tilespmem:s21+$0x12B90];
	[tilespmem:s17+$0x63A0] =	vst v11;
	v4 =	vadd.f32 v4, v9  }
0x41: {  	v11 =	vld [tilespmem:s21+$0x12BA0];
	[tilespmem:s17+$0x63B0] =	vst v5;
	v3 =	vadd.f32 v3, v8  }
0x42: {  	v5 =	vld [tilespmem:s21+$0x12BB0];
	[tilespmem:s17+$0x63C0] =	vst v4;
	v2 =	vadd.f32 v2, v6  }
0x43: {  	v4 =	vld [tilespmem:s21+$0x12BC0];
	[tilespmem:s17+$0x63D0] =	vst v3;
	v1 =	vadd.f32 v1, v7  }
0x44: {  	v3 =	vld [tilespmem:s21+$0x12BD0];
	[tilespmem:s17+$0x63E0] =	vst v2;
	v0 =	vadd.f32 v0, v10  }
0x45: {  	v2 =	vld [tilespmem:s21+$0x12BE0];
	[tilespmem:s17+$0x63F0] =	vst v1  }
0x46: {  	v1 =	vld [tilespmem:s21+$0x12BF0];
	[tilespmem:s17+$0x6400] =	vst v0;
	s17 =	smov.u32 s21  }
0x47: {  	v0 =	vld [tilespmem:s17+$0x12C00]  }
0x48: {  	v6 =	vld [tilespmem:s17+$0x6390]  }
0x49: {  	v7 =	vld [tilespmem:s17+$0x63A0]  }
.Ltmp0:
0x4a: {  	v10 =	vld [tilespmem:s17+$0x63B0];
	(pc) =	sbr.rel @p0 .LBB2_3-.Ltmp0, $4  }
0x4b: {  	v9 =	vld [tilespmem:s17+$0x63C0]  }
0x4c: {  	v8 =	vld [tilespmem:s17+$0x63D0]  }
0x4d: {  	v12 =	vadd.f32 v12, v6;
	v6 =	vld [tilespmem:s17+$0x63E0]  }
0x4e: {  	s19 =	sadd.s32 $0x200, s19;
	v11 =	vadd.f32 v11, v7;
	v7 =	vld [tilespmem:s17+$0x63F0]  }
0x4f: {  	[tilespmem:s17+$0x6390] =	vst v12;
	v5 =	vadd.f32 v5, v10;
	v10 =	vld [tilespmem:s17+$0x6400]  }
0x50: {  	[tilespmem:s17+$0x63A0] =	vst v11;
	v4 =	vadd.f32 v4, v9  }
0x51: {  	[tilespmem:s17+$0x63B0] =	vst v5;
	v3 =	vadd.f32 v3, v8  }
0x52: {  	[tilespmem:s17+$0x63C0] =	vst v4;
	v2 =	vadd.f32 v2, v6  }
0x53: {  	s19 =	sadd.s32 s3, s18;
	[tilespmem:s17+$0x63D0] =	vst v3;
	v1 =	vadd.f32 v1, v7  }
0x54: {  	s19 =	smul.u32 $0x640, s19;
	[tilespmem:s17+$0x63E0] =	vst v2;
	v0 =	vadd.f32 v0, v10  }
0x55: {  	p0 =	seq.s32 s14, $0x1F;
	[tilespmem:s17+$0x63F0] =	vst v1  }
0x56: {  	s22 =	sadd.s32 s2, s19;
	[tilespmem:s17+$0x6400] =	vst v0;
	s17 =	simm.s32 @!p0 $0x5  }
0x57: {  	[hbm4b:s22+s4] =	stream.linear.scatter [tilespmem:s12], [sflag:$0x5], $0x3200, $0x38;
	[tilespmem:$0x15E00] =	vst v63  }
0x58: {  	s19 =	smul.u32 @!p0 $0xC80, s14;
	_ =	swait.ge @!p0 [sflag:s17], $0x3200  }
0x59: {  	[sflag:s17] =	ssyncset.done @!p0 $0x0  }
0x5a: {  	[sflag:s17] =	ssyncadd.s32 @!p0 $0xFFFFCE00;
	s17 =	sshra.s32 @!p0 s19, $0x2  }
0x5b: {  	s21 =	simm.s32 @!p0 $0x80;
	s22 =	simm.s32 @!p0 $0x6400;
	s19 =	sadd.s32 @!p0 $0x320, s17  }
0x5c: {  	[tilespmem:s22], [sflag:$0x1] =	stream.indirect.gather @!p0 [hbm4b:s5+s21], $0x40, s19, s21, $0xb8;
	[tilespmem:$0x15E00] =	vst v63  }
0x5d: {  	s19 =	sadd.s32 @!p0 $0x3A0, s17;
	s21 =	simm.s32 @!p0 $0x48;
	s22 =	simm.s32 @!p0 $0x8400  }
0x5e: {  	[tilespmem:s22], [sflag:$0x1] =	stream.indirect.gather @!p0 [hbm4b:s5+s21], $0x40, s19, s21, $0xb8;
	[tilespmem:$0x15E00] =	vst v63  }
0x5f: {  	_ =	swait.ge [sflag:s26], $0x2000  }
0x60: {  	[sflag:s26] =	ssyncset.done $0x0  }
0x61: {  	[sflag:s26] =	ssyncadd.s32 $0xFFFFE000  }
0x62: {  	_ =	swait.ge [sflag:s26], $0x1200  }
0x63: {  	[sflag:s26] =	ssyncset.done $0x0  }
0x64: {  	s19 =	simm.s32 $0x0;
	[sflag:s26] =	ssyncadd.s32 $0xFFFFEE00  }
0x65: {  	v7 =	vld [tilespmem:s19+$0x12C00]  }
0x66: {  	v11 =	vld [tilespmem:s19+$0x12C10]  }
0x67: {  	v5 =	vld [tilespmem:s19+$0x12C20]  }
0x68: {  	v4 =	vld [tilespmem:s19+$0x12C30]  }
0x69: {  	v3 =	vld [tilespmem:s19+$0x12C40]  }
0x6a: {  	v2 =	vld [tilespmem:s19+$0x12C50]  }
0x6b: {  	v1 =	vld [tilespmem:s19+$0x12C60]  }
0x6c: {  	v0 =	vld [tilespmem:s19+$0x12C70]  }
0x6d: {  	v12 =	vld [tilespmem:s19+$0x9600]  }
0x6e: {  	v13 =	vld [tilespmem:s19+$0x9610]  }
0x6f: {  	v10 =	vld [tilespmem:s19+$0x9620]  }
0x70: {  	v9 =	vld [tilespmem:s19+$0x9630]  }
0x71: {  	v8 =	vld [tilespmem:s19+$0x9640]  }
0x72: {  	v6 =	vld [tilespmem:s19+$0x9650];
	v12 =	vadd.f32 v7, v12  }
0x73: {  	s21 =	sor.u32 $0x1, s18;
	s22 =	simm.s32 $0x200;
	v11 =	vadd.f32 v11, v13;
	v7 =	vld [tilespmem:s19+$0x9660]  }
.LBB2_5:
0x74: {  	s6 =	sshra.s32 s22, $0x2;
	p1 =	sne.s32 s22, $0xC600;
	[tilespmem:s19+$0x9600] =	vst v12;
	v5 =	vadd.f32 v5, v10;
	v10 =	vld [tilespmem:s19+$0x9670]  }
0x75: {  	v12 =	vld [tilespmem:s6+$0x12C00];
	[tilespmem:s19+$0x9610] =	vst v11;
	v4 =	vadd.f32 v4, v9  }
0x76: {  	v11 =	vld [tilespmem:s6+$0x12C10];
	[tilespmem:s19+$0x9620] =	vst v5;
	v3 =	vadd.f32 v3, v8  }
0x77: {  	v5 =	vld [tilespmem:s6+$0x12C20];
	[tilespmem:s19+$0x9630] =	vst v4;
	v2 =	vadd.f32 v2, v6  }
0x78: {  	v4 =	vld [tilespmem:s6+$0x12C30];
	[tilespmem:s19+$0x9640] =	vst v3;
	v1 =	vadd.f32 v1, v7  }
0x79: {  	v3 =	vld [tilespmem:s6+$0x12C40];
	[tilespmem:s19+$0x9650] =	vst v2;
	v0 =	vadd.f32 v0, v10  }
0x7a: {  	v2 =	vld [tilespmem:s6+$0x12C50];
	[tilespmem:s19+$0x9660] =	vst v1  }
0x7b: {  	v1 =	vld [tilespmem:s6+$0x12C60];
	[tilespmem:s19+$0x9670] =	vst v0;
	s19 =	smov.u32 s6  }
0x7c: {  	v0 =	vld [tilespmem:s19+$0x12C70]  }
0x7d: {  	v6 =	vld [tilespmem:s19+$0x9600]  }
0x7e: {  	v7 =	vld [tilespmem:s19+$0x9610]  }
.Ltmp1:
0x7f: {  	v10 =	vld [tilespmem:s19+$0x9620];
	(pc) =	sbr.rel @p1 .LBB2_5-.Ltmp1, $4  }
0x80: {  	v9 =	vld [tilespmem:s19+$0x9630]  }
0x81: {  	v8 =	vld [tilespmem:s19+$0x9640]  }
0x82: {  	v12 =	vadd.f32 v12, v6;
	v6 =	vld [tilespmem:s19+$0x9650]  }
0x83: {  	s22 =	sadd.s32 $0x200, s22;
	v11 =	vadd.f32 v11, v7;
	v7 =	vld [tilespmem:s19+$0x9660]  }
0x84: {  	[tilespmem:s19+$0x9600] =	vst v12;
	v5 =	vadd.f32 v5, v10;
	v10 =	vld [tilespmem:s19+$0x9670]  }
0x85: {  	[tilespmem:s19+$0x9610] =	vst v11;
	v4 =	vadd.f32 v4, v9  }
0x86: {  	[tilespmem:s19+$0x9620] =	vst v5;
	v3 =	vadd.f32 v3, v8  }
0x87: {  	[tilespmem:s19+$0x9630] =	vst v4;
	v2 =	vadd.f32 v2, v6  }
0x88: {  	s6 =	sadd.s32 s3, s21;
	[tilespmem:s19+$0x9640] =	vst v3;
	v1 =	vadd.f32 v1, v7  }
0x89: {  	s6 =	smul.u32 $0x640, s6;
	[tilespmem:s19+$0x9650] =	vst v2;
	v0 =	vadd.f32 v0, v10  }
0x8a: {  	[tilespmem:s19+$0x9660] =	vst v1  }
0x8b: {  	s6 =	sadd.s32 s2, s6;
	[tilespmem:s19+$0x9670] =	vst v0  }
0x8c: {  	[hbm4b:s6+s4] =	stream.linear.scatter [tilespmem:s16], [sflag:$0x6], $0x3200, $0x38;
	[tilespmem:$0x15E00] =	vst v63  }
0x8d: {  	s6 =	simm.s32 @!p0 $0x6  }
0x8e: {  	_ =	swait.ge @!p0 [sflag:s6], $0x3200  }
0x8f: {  	s21 =	simm.s32 @!p0 $0x9600;
	[sflag:s6] =	ssyncset.done @!p0 $0x0  }
0x90: {  	s19 =	simm.s32 @!p0 $0x80;
	[sflag:s6] =	ssyncadd.s32 @!p0 $0xFFFFCE00;
	s6 =	sadd.s32 @!p0 $0x3E8, s17  }
0x91: {  	[tilespmem:s21], [sflag:$0x2] =	stream.indirect.gather @!p0 [hbm4b:s5+s19], $0x40, s6, s19, $0xb8;
	[tilespmem:$0x15E00] =	vst v63  }
0x92: {  	s6 =	sadd.s32 @!p0 $0x468, s17;
	s19 =	simm.s32 @!p0 $0x48;
	s21 =	simm.s32 @!p0 $0xB600  }
0x93: {  	[tilespmem:s21], [sflag:$0x2] =	stream.indirect.gather @!p0 [hbm4b:s5+s19], $0x40, s6, s19, $0xb8;
	[tilespmem:$0x15E00] =	vst v63  }
0x94: {  	_ =	swait.ge [sflag:s28], $0x2000  }
0x95: {  	[sflag:s28] =	ssyncset.done $0x0  }
0x96: {  	[sflag:s28] =	ssyncadd.s32 $0xFFFFE000  }
0x97: {  	_ =	swait.ge [sflag:s28], $0x1200  }
0x98: {  	[sflag:s28] =	ssyncset.done $0x0  }
0x99: {  	s19 =	simm.s32 $0x0;
	[sflag:s28] =	ssyncadd.s32 $0xFFFFEE00  }
0x9a: {  	v7 =	vld [tilespmem:s19+$0x12C00]  }
0x9b: {  	v11 =	vld [tilespmem:s19+$0x12C10]  }
0x9c: {  	v5 =	vld [tilespmem:s19+$0x12C20]  }
0x9d: {  	v4 =	vld [tilespmem:s19+$0x12C30]  }
0x9e: {  	v3 =	vld [tilespmem:s19+$0x12C40]  }
0x9f: {  	v2 =	vld [tilespmem:s19+$0x12C50]  }
0xa0: {  	v1 =	vld [tilespmem:s19+$0x12C60]  }
0xa1: {  	v0 =	vld [tilespmem:s19+$0x12C70]  }
0xa2: {  	v12 =	vld [tilespmem:s19+$0xC800]  }
0xa3: {  	v13 =	vld [tilespmem:s19+$0xC810]  }
0xa4: {  	v10 =	vld [tilespmem:s19+$0xC820]  }
0xa5: {  	v9 =	vld [tilespmem:s19+$0xC830]  }
0xa6: {  	v8 =	vld [tilespmem:s19+$0xC840]  }
0xa7: {  	v6 =	vld [tilespmem:s19+$0xC850];
	v12 =	vadd.f32 v7, v12  }
0xa8: {  	s18 =	sor.u32 $0x2, s18;
	s21 =	simm.s32 $0x200;
	v11 =	vadd.f32 v11, v13;
	v7 =	vld [tilespmem:s19+$0xC860]  }
.LBB2_7:
0xa9: {  	s6 =	sshra.s32 s21, $0x2;
	p1 =	sne.s32 s21, $0xC600;
	[tilespmem:s19+$0xC800] =	vst v12;
	v5 =	vadd.f32 v5, v10;
	v10 =	vld [tilespmem:s19+$0xC870]  }
0xaa: {  	v12 =	vld [tilespmem:s6+$0x12C00];
	[tilespmem:s19+$0xC810] =	vst v11;
	v4 =	vadd.f32 v4, v9  }
0xab: {  	v11 =	vld [tilespmem:s6+$0x12C10];
	[tilespmem:s19+$0xC820] =	vst v5;
	v3 =	vadd.f32 v3, v8  }
0xac: {  	v5 =	vld [tilespmem:s6+$0x12C20];
	[tilespmem:s19+$0xC830] =	vst v4;
	v2 =	vadd.f32 v2, v6  }
0xad: {  	v4 =	vld [tilespmem:s6+$0x12C30];
	[tilespmem:s19+$0xC840] =	vst v3;
	v1 =	vadd.f32 v1, v7  }
0xae: {  	v3 =	vld [tilespmem:s6+$0x12C40];
	[tilespmem:s19+$0xC850] =	vst v2;
	v0 =	vadd.f32 v0, v10  }
0xaf: {  	v2 =	vld [tilespmem:s6+$0x12C50];
	[tilespmem:s19+$0xC860] =	vst v1  }
0xb0: {  	v1 =	vld [tilespmem:s6+$0x12C60];
	[tilespmem:s19+$0xC870] =	vst v0;
	s19 =	smov.u32 s6  }
0xb1: {  	v0 =	vld [tilespmem:s19+$0x12C70]  }
0xb2: {  	v6 =	vld [tilespmem:s19+$0xC800]  }
0xb3: {  	v7 =	vld [tilespmem:s19+$0xC810]  }
.Ltmp2:
0xb4: {  	v10 =	vld [tilespmem:s19+$0xC820];
	(pc) =	sbr.rel @p1 .LBB2_7-.Ltmp2, $4  }
0xb5: {  	v9 =	vld [tilespmem:s19+$0xC830]  }
0xb6: {  	v8 =	vld [tilespmem:s19+$0xC840]  }
0xb7: {  	v12 =	vadd.f32 v12, v6;
	v6 =	vld [tilespmem:s19+$0xC850]  }
0xb8: {  	s21 =	sadd.s32 $0x200, s21;
	v11 =	vadd.f32 v11, v7;
	v7 =	vld [tilespmem:s19+$0xC860]  }
0xb9: {  	[tilespmem:s19+$0xC800] =	vst v12;
	v5 =	vadd.f32 v5, v10;
	v10 =	vld [tilespmem:s19+$0xC870]  }
0xba: {  	[tilespmem:s19+$0xC810] =	vst v11;
	v4 =	vadd.f32 v4, v9  }
0xbb: {  	[tilespmem:s19+$0xC820] =	vst v5;
	v3 =	vadd.f32 v3, v8  }
0xbc: {  	[tilespmem:s19+$0xC830] =	vst v4;
	v2 =	vadd.f32 v2, v6  }
0xbd: {  	s6 =	sadd.s32 s3, s18;
	[tilespmem:s19+$0xC840] =	vst v3;
	v1 =	vadd.f32 v1, v7  }
0xbe: {  	s6 =	smul.u32 $0x640, s6;
	[tilespmem:s19+$0xC850] =	vst v2;
	v0 =	vadd.f32 v0, v10  }
0xbf: {  	[tilespmem:s19+$0xC860] =	vst v1  }
0xc0: {  	s6 =	sadd.s32 s2, s6;
	[tilespmem:s19+$0xC870] =	vst v0  }
0xc1: {  	[hbm4b:s6+s4] =	stream.linear.scatter [tilespmem:s20], [sflag:$0x7], $0x3200, $0x38;
	[tilespmem:$0x15E00] =	vst v63  }
0xc2: {  	s6 =	simm.s32 @!p0 $0x7  }
0xc3: {  	_ =	swait.ge @!p0 [sflag:s6], $0x3200  }
0xc4: {  	s18 =	simm.s32 @!p0 $0x80;
	[sflag:s6] =	ssyncset.done @!p0 $0x0  }
0xc5: {  	s19 =	simm.s32 @!p0 $0xC800;
	[sflag:s6] =	ssyncadd.s32 @!p0 $0xFFFFCE00;
	s6 =	sadd.s32 @!p0 $0x4B0, s17  }
0xc6: {  	[tilespmem:s19], [sflag:$0x3] =	stream.indirect.gather @!p0 [hbm4b:s5+s18], $0x40, s6, s18, $0xb8;
	[tilespmem:$0x15E00] =	vst v63  }
0xc7: {  	s6 =	sadd.s32 @!p0 $0x530, s17;
	s17 =	simm.s32 @!p0 $0x48;
	s18 =	simm.s32 @!p0 $0xE800  }
0xc8: {  	[tilespmem:s18], [sflag:$0x3] =	stream.indirect.gather @!p0 [hbm4b:s5+s17], $0x40, s6, s17, $0xb8;
	[tilespmem:$0x15E00] =	vst v63  }
0xc9: {  	_ =	swait.ge [sflag:s29], $0x2000  }
0xca: {  	[sflag:s29] =	ssyncset.done $0x0  }
0xcb: {  	[sflag:s29] =	ssyncadd.s32 $0xFFFFE000  }
0xcc: {  	_ =	swait.ge [sflag:s29], $0x1200  }
0xcd: {  	[sflag:s29] =	ssyncset.done $0x0  }
0xce: {  	s17 =	simm.s32 $0x0;
	[sflag:s29] =	ssyncadd.s32 $0xFFFFEE00  }
0xcf: {  	v7 =	vld [tilespmem:s17+$0x12C00]  }
0xd0: {  	v11 =	vld [tilespmem:s17+$0x12C10]  }
0xd1: {  	v5 =	vld [tilespmem:s17+$0x12C20]  }
0xd2: {  	v4 =	vld [tilespmem:s17+$0x12C30]  }
0xd3: {  	v3 =	vld [tilespmem:s17+$0x12C40]  }
0xd4: {  	v2 =	vld [tilespmem:s17+$0x12C50]  }
0xd5: {  	v1 =	vld [tilespmem:s17+$0x12C60]  }
0xd6: {  	v0 =	vld [tilespmem:s17+$0x12C70]  }
0xd7: {  	v12 =	vld [tilespmem:s17+$0xFA00]  }
0xd8: {  	v13 =	vld [tilespmem:s17+$0xFA10]  }
0xd9: {  	v10 =	vld [tilespmem:s17+$0xFA20]  }
0xda: {  	v9 =	vld [tilespmem:s17+$0xFA30]  }
0xdb: {  	v8 =	vld [tilespmem:s17+$0xFA40]  }
0xdc: {  	v6 =	vld [tilespmem:s17+$0xFA50];
	v12 =	vadd.f32 v7, v12  }
0xdd: {  	s18 =	simm.s32 $0x200;
	v11 =	vadd.f32 v11, v13;
	v7 =	vld [tilespmem:s17+$0xFA60]  }
.LBB2_9:
0xde: {  	s6 =	sshra.s32 s18, $0x2;
	p0 =	sne.s32 s18, $0xC600;
	[tilespmem:s17+$0xFA00] =	vst v12;
	v5 =	vadd.f32 v5, v10;
	v10 =	vld [tilespmem:s17+$0xFA70]  }
0xdf: {  	v12 =	vld [tilespmem:s6+$0x12C00];
	[tilespmem:s17+$0xFA10] =	vst v11;
	v4 =	vadd.f32 v4, v9  }
0xe0: {  	v11 =	vld [tilespmem:s6+$0x12C10];
	[tilespmem:s17+$0xFA20] =	vst v5;
	v3 =	vadd.f32 v3, v8  }
0xe1: {  	v5 =	vld [tilespmem:s6+$0x12C20];
	[tilespmem:s17+$0xFA30] =	vst v4;
	v2 =	vadd.f32 v2, v6  }
0xe2: {  	v4 =	vld [tilespmem:s6+$0x12C30];
	[tilespmem:s17+$0xFA40] =	vst v3;
	v1 =	vadd.f32 v1, v7  }
0xe3: {  	v3 =	vld [tilespmem:s6+$0x12C40];
	[tilespmem:s17+$0xFA50] =	vst v2;
	v0 =	vadd.f32 v0, v10  }
0xe4: {  	v2 =	vld [tilespmem:s6+$0x12C50];
	[tilespmem:s17+$0xFA60] =	vst v1  }
0xe5: {  	v1 =	vld [tilespmem:s6+$0x12C60];
	[tilespmem:s17+$0xFA70] =	vst v0;
	s17 =	smov.u32 s6  }
0xe6: {  	v0 =	vld [tilespmem:s17+$0x12C70]  }
0xe7: {  	v6 =	vld [tilespmem:s17+$0xFA00]  }
0xe8: {  	v7 =	vld [tilespmem:s17+$0xFA10]  }
.Ltmp3:
0xe9: {  	v10 =	vld [tilespmem:s17+$0xFA20];
	(pc) =	sbr.rel @p0 .LBB2_9-.Ltmp3, $4  }
0xea: {  	v9 =	vld [tilespmem:s17+$0xFA30]  }
0xeb: {  	v8 =	vld [tilespmem:s17+$0xFA40]  }
0xec: {  	v12 =	vadd.f32 v12, v6;
	v6 =	vld [tilespmem:s17+$0xFA50]  }
0xed: {  	s18 =	sadd.s32 $0x200, s18;
	v11 =	vadd.f32 v11, v7;
	v7 =	vld [tilespmem:s17+$0xFA60]  }
0xee: {  	[tilespmem:s17+$0xFA00] =	vst v12;
	v5 =	vadd.f32 v5, v10;
	v63 =	vld [tilespmem:s17+$0xFA70]  }
0xef: {  	[tilespmem:s17+$0xFA10] =	vst v11;
	v4 =	vadd.f32 v4, v9  }
0xf0: {  	s14 =	sadd.s32 $0x1, s14;
	[tilespmem:s17+$0xFA20] =	vst v5;
	v3 =	vadd.f32 v3, v8  }
0xf1: {  	p0 =	sne.s32 s14, $0x20;
	[tilespmem:s17+$0xFA30] =	vst v4;
	v2 =	vadd.f32 v2, v6  }
.Ltmp4:
0xf2: {  	s6 =	sadd.s32 s3, s15;
	[tilespmem:s17+$0xFA40] =	vst v3;
	v1 =	vadd.f32 v1, v7;
	(pc) =	sbr.rel @p0 .LBB2_2-.Ltmp4, $4  }
0xf3: {  	s6 =	smul.u32 $0x640, s6;
	[tilespmem:s17+$0xFA50] =	vst v2;
	v0 =	vadd.f32 v0, v63  }
0xf4: {  	[tilespmem:s17+$0xFA60] =	vst v1  }
0xf5: {  	s6 =	sadd.s32 s2, s6;
	[tilespmem:s17+$0xFA70] =	vst v0  }
0xf6: {  	[hbm4b:s6+s4] =	stream.linear.scatter [tilespmem:s23], [sflag:$0x8], $0x3200, $0x38;
	[tilespmem:$0x15E00] =	vst v63  }
0xf7: {  	_ =	swait.ge [sflag:s30], $0x3200  }
0xf8: {  	[sflag:s30] =	ssyncset.done $0x0  }
0xf9: {  	[sflag:s30] =	ssyncadd.s32 $0xFFFFCE00  }
0xfa: {  	_ =	swait.ge [sflag:s31], $0x3200  }
0xfb: {  	[sflag:s31] =	ssyncset.done $0x0  }
0xfc: {  	s9 =	sadd.s32 $0x1, s9;
	[sflag:s31] =	ssyncadd.s32 $0xFFFFCE00  }
0xfd: {  	p0 =	sne.s32 s9, s8;
	_ =	swait.ge [sflag:s1], $0x3200  }
.Ltmp5:
0xfe: {  	[sflag:s1] =	ssyncset.done $0x0;
	(pc) =	sbr.rel @p0 .LBB2_1-.Ltmp5, $4  }
0xff: {  	[sflag:s1] =	ssyncadd.s32 $0xFFFFCE00  }
0x100: {  	_ =	swait.ge [sflag:s0], $0x3200  }
0x101: {  	[sflag:s0] =	ssyncset.done $0x0  }
0x102: {  	[sflag:s0] =	ssyncadd.s32 $0xFFFFCE00  }
0x103: {  	_ =	sfence.sel $0x180000  }
0x104: {  	[bflag:$0x0] =	sbarrier.arrive $0xFFFF  }
0x105: {  	_ =	strace $0x90000047  }
0x106: {  	s0 =	stileid.u32;
	[bflag:$0x2] =	sbarrier.arrive $0xFFFF  }
0x107: {  	p0 =	sne.s32 s0, $0x0;
	s0 =	rddreg [dreg:$0x2]  }
0x108: {  	s0 =	sadd.s32 @!p0 $0x100000, s0  }
0x109: {  	[sflag:s0] =	ssyncadd.tile.s32 @!p0 $0x1;
	_ =	shalt  }
.Lfunc_end2:
_tile_overlayer_lowered:
.L_overlay_start_2:
0x10a: {  	(tag) =	ssettag $0x2  }
0x10b: {  	s0 =	rddreg [dreg:$0x0];
	s2 =	stileid.u32  }
0x10c: {  	s1 =	rddreg [dreg:$0x1];
	p0 =	sne.s32 s2, $0x0  }
0x10d: {  	s3 =	rddreg [dreg:$0x2];
	[bflag:$0x3] =	sbarrier.arrive $0xFFFF;
	s2 =	simm.s32 @!p0 $0x1C09  }
0x10e: {  	[timem:s3], [sflag:s2] =	dma.local @!p0 [hbm:s0], s1  }
0x10f: {  	s0 =	simm.s32 @!p0 $0x9  }
0x110: {  	_ =	swait.ge @!p0 [sflag:s0], s1  }
0x111: {  	s1 =	ssub.s32 @!p0 $0x0, s1;
	[sflag:s0] =	ssyncset.done @!p0 $0x0  }
0x112: {  	[sflag:s0] =	ssyncadd.s32 @!p0 s1  }
0x113: {  	[bflag:$0x3] =	sbarrier.arrive $0xFFFF  }
0x114: {  	_ =	shalt  }

// kernel: sparse-core-data-format-call.cloned.1.call-start
scs
called_computation_lowered:
.L_overlay_start_0:
0x0: {  	s2 =	sld [smem:$0x3FD9]  }
0x1: {  	s3 =	sld [smem:$0x3FFE];
	_ =	sdelay $0x1  }
0x2: {  	s1 =	srdreg.scid  }
0x3: {  	s0 =	sand.u32 $0x1, s1  }
0x4: {  	s18 =	sshll.u32 s0, $0xA;
	s2 =	sadd.s32 s3, s2  }
0x5: {  	s2 =	sadd.s32 s2, s18  }
0x6: {  	[smem:$0x3FC5] =	sst s2  }
0x7: {  	_ = 	snop  }
0x8: {  	s2 =	sld [smem:$0x3FD0];
	(tm) =	ssettm $0x1  }
0x9: {  	s19 =	sld [smem:$0x3FFB];
	_ =	sdelay $0x3  }
0xa: {  	_ =	strace s19  }
0xb: {  	s3 =	sld [smem:$0x3FFC];
	_ =	sdelay $0x3  }
0xc: {  	_ =	strace s3  }
0xd: {  	s3 =	sld [smem:$0x3FFD];
	_ =	sdelay $0x3  }
0xe: {  	_ =	strace s3  }
0xf: {  	_ =	strace $0x8FFFFFFF  }
0x10: {  	s20 =	sld [smem:$0x3FDB];
	_ =	sdelay $0x1  }
0x11: {  	s4 =	simm.s32 $_scs_section_size  }
0x12: {  	s5 =	simm.s32 $_size__tile_overlayer_lowered;
	s6 =	simm.s32 $_tile_overlayer_lowered  }
0x13: {  	s23 =	simm.s32 $0x1BFF;
	s22 =	sshll.u32 s6, $0x1;
	s3 =	sadd.s32 s4, s20  }
0x14: {  	s7 =	simm.s32 $0x0;
	s21 =	sshll.u32 s5, $0x1;
	s5 =	sadd.s32 s22, s3  }
0x15: {  	[timem:s7], [sflag:s23] =	dma.local [hbm:s5], s21  }
0x16: {  	_ =	swait.ge [sflag:s23], s21  }
0x17: {  	s4 =	ssub.s32 $0x0, s21;
	[sflag:s23] =	ssyncset.done $0x0  }
0x18: {  	[sflag:s23] =	ssyncadd.s32 s4;
	_ =	sdelay $0x1  }
0x19: {  	s24 =	simm.s32 $0x1B8B  }
0x1a: {  	_ =	swait.ge [sflag:s24], $0x1  }
0x1b: {  	[sflag:s24] =	ssyncset.done $0x0  }
0x1c: {  	s26 =	simm.s32 $0x1B8E;
	s25 =	sld [smem:$0x3FFE];
	[sflag:s24] =	ssyncadd.s32 $0xFFFFFFFF  }
0x1d: {  	s27 =	simm.s32 $execute0_lowered;
	[smem:$0x3FD2] =	sst s26  }
0x1e: {  	s5 =	sshll.u32 s27, $0x1;
	_ =	strace $0x80000049;
	[dreg:$0x1] =	wrdreg $0xFFFFFFFF  }
0x1f: {  	s28 =	simm.s32 $_size_execute0_lowered;
	s3 =	sadd.s32 s3, s5;
	[dreg:$0x0] =	wrdreg $0x0  }
0x20: {  	s5 =	sshll.u32 s28, $0x1;
	[dreg:$0x2] =	wrdreg s3  }
0x21: {  	[dreg:$0x3] =	wrdreg s5  }
0x22: {  	[dreg:$0x4] =	wrdreg $0xC0  }
0x23: {  	_ =	task [dreg:s7], $0x5FFFF  }
0x24: {  	[dreg:$0x1] =	wrdreg $0xFFFFFFFF  }
0x25: {  	[dreg:$0x0] =	wrdreg $0x60  }
0x26: {  	[dreg:$0x2] =	wrdreg s25  }
0x27: {  	[dreg:$0x3] =	wrdreg s2  }
0x28: {  	[dreg:$0x4] =	wrdreg $0x9  }
0x29: {  	_ =	task.clear_ibuf [dreg:s7], $0x5FFFF;
	_ =	strace $0x90000049  }
0x2a: {  	s29 =	simm.s32 $0x9;
	_ =	strace $0x8000004B  }
0x2b: {  	_ =	swait.ge [sflag:s29], $0x1  }
0x2c: {  	[sflag:s29] =	ssyncadd.s32 $0xFFFFFFFF  }
0x2d: {  	_ =	strace $0x9000004B  }
0x2e: {  	_ =	sfence  }
0x2f: {  	s30 =	sld [smem:$0x0];
	_ =	sdelay $0x2  }
0x30: {  	s31 =	sshll.u32 s1, $0xD;
	s1 =	sshrl.u32 s1, $0x2  }
0x31: {  	s3 =	sand.u32 $0x4000, s31;
	s1 =	sadd.s32 s1, s30  }
0x32: {  	s0 =	sor.u32 s3, s0;
	s1 =	sshll.u32 s1, $0x11  }
0x33: {  	s0 =	sor.u32 s1, s0  }
0x34: {  	s0 =	sadd.s32 $0x8F2B, s0  }
0x35: {  	[sflag:s0] =	ssyncadd.remote.s32 $0x1  }
0x36: {  	_ =	sfence.sel $0xFFFF  }
0x37: {  	[dreg:$0x0] =	wrdreg $0xFFFFFFFF;
	(pc) =	sbr.abs _section_cstart, $3  }
0x38: {  	[dreg:$0x1] =	wrdreg $0xFFFFFFFF  }
0x39: {  	_ =	task.clear_ibuf [dreg:s7], $0x2FFFF;
	_ =	strace $0x9FFFFFFF  }
0x3a: {  	(tm) =	ssettm $0x7FFFFFFF  }
0x3b: {  	_ =	shalt  }
tec
execute0_lowered:
.L_overlay_start_1:
0x0: {  	(tag) =	ssettag $0x1  }
0x1: {  	s0 =	srdreg.scid  }
0x2: {  	s1 =	sshll.u32 s0, $0x4  }
0x3: {  	s0 =	stileid.u32;
	s1 =	sand.u32 $0x10, s1  }
0x4: {  	s1 =	sor.u32 s0, s1  }
0x5: {  	s6 =	rddreg [dreg:$0x0];
	s4 =	simm.s32 $0x1;
	s2 =	sshll.u32 s1, $0x7  }
0x6: {  	s7 =	simm.s32 $0x2;
	s12 =	simm.s32 $0x0;
	s1 =	ssub.s32 $0x1000, s2  }
0x7: {  	s8 =	simm.s32 $0x8000;
	s13 =	simm.s32 $0x0;
	s3 =	sand.u32 $0xF80, s1  }
0x8: {  	s9 =	simm.s32 $0x0;
	s5 =	sshrl.u32 s1, $0xC;
	p0 =	sne.s32 s3, $0x0  }
.Ltmp0:
0x9: {  	s1 =	rddreg [dreg:$0x2];
	s4 =	simm.s32 @!p0 $0x0;
	(pc) =	sbr.rel .LBB1_1-.Ltmp0, $4  }
0xa: {  	s11 =	simm.s32 $0x0;
	s3 =	rddreg [dreg:$0x1];
	s5 =	sadd.s32 s4, s5  }
0xb: {  	_ =	strace $0x8000004A;
	s4 =	simm.s32 $0x1;
	s5 =	smul.u32 $0xC8, s5  }
0xc: {  	s6 =	sadd.s32 $0xC00, s6;
	s10 =	smov.u32 s2;
	[sflag:s4] =	ssyncpa.u1 $0x0  }
0xd: {  	p0 =	por $0x0, $0x0;
	[sflag:s7] =	ssyncpa.u1 $0x0;
	s7 =	sor.u32 $0x1, s5  }
.LBB1_4:
0xe: {  	s16 =	sshll.u32 s13, $0x3;
	s17 =	sand.u32 $0x78, s13  }
0xf: {  	s30 =	sand.u32 $0x7E00, s13;
	s12 =	sshll.u32 s12, $0xF;
	s16 =	sand.u32 $0xC00, s16  }
0x10: {  	[tilespmem:s15+$0x810 ss:$0x81] =	vst.msk $0xffff, v2;
	s31 =	sand.u32 $0x7, s13;
	s16 =	sor.u32 s17, s16;
	s17 =	sadd.s32 s3, s30  }
0x11: {  	[tilespmem:s15+$0x1020 ss:$0x81] =	vst.msk $0xffff, v0;
	s13 =	sshll.u32 s31, $0x12;
	s12 =	sadd.s32 s12, s17;
	s16 =	sshrl.u32 s16, $0x3  }
0x12: {  	[tilespmem:s15+$0x0 ss:$0x81] =	vst.msk $0xffff, v1;
	s13 =	sor.u32 $0x400, s13;
	s12 =	sadd.s32 s16, s12  }
0x13: {  	[hbm4b:s12+s13] =	stream.strided.scatter [tilespmem:s14], [sflag:$0x2], $0x2000, s8, s13, $0x20;
	[tilespmem:$0x8080] =	vst v63  }
.LBB1_5:
0x14: {  	s14 =	sadd.s32 $0x1, s9  }
0x15: {  	s12 =	sadd.s32 $0x1000, s10;
	s16 =	smov.u32 s10;
	p2 =	sgt.s32 s14, $0xC7  }
0x16: {  	s16 =	smov.u32 @p2 s12  }
0x17: {  	s14 =	simm.s32 @p2 $0x0;
	p2 =	sgt.s32 s16, $0xFFF  }
0x18: {  	s16 =	smov.u32 @p2 s2;
	p2 =	sne.s32 s11, s7  }
.Ltmp1:
0x19: {  	p1 =	slt.u32 s11, $0x2;
	(pc) =	sbr.rel @!p2 .LBB1_6-.Ltmp1, $4  }
0x1a: {  	s15 =	simm.s32 @!p1 $0x2  }
0x1b: {  	s13 =	smov.u32 s10;
	p0 =	por !p0, !p0;
	_ =	swait.ge @!p1 [sflag:s15], $0x2000  }
0x1c: {  	s12 =	smov.u32 s9;
	[sflag:s15] =	ssyncset.done @!p1 $0x0;
	s9 =	smov.u32 s14  }
0x1d: {  	s11 =	sadd.s32 $0x1, s11;
	[sflag:s15] =	ssyncadd.s32 @!p1 $0xFFFFE000;
	s10 =	smov.u32 s16  }
.LBB1_1:
0x1e: {  	p1 =	sge.u32 s11, s5  }
0x1f: {  	s14 =	sand.u32 @!p1 $0x1FFFFFF, s9  }
0x20: {  	s15 =	smulhi.u32 @!p1 $0x147AE15, s14;
	_ =	sdelay $0x1  }
0x21: {  	s15 =	smul.u32 @!p1 $0xC8, s15  }
0x22: {  	s16 =	sxor.u32 @!p1 $0xFFFFFFFF, s11;
	s17 =	smul.u32 @!p1 $0xC80, s10  }
0x23: {  	s31 =	sadd.s32 $0xFFFFFFFF, s11;
	s16 =	sshll.u32 @!p1 s16, $0xD;
	s14 =	ssub.s32 @!p1 s14, s15  }
0x24: {  	s15 =	sand.u32 @!p1 $0x2000, s16;
	s16 =	sadd.s32 @!p1 s6, s17;
	s14 =	sshll.u32 @!p1 s14, $0x4  }
0x25: {  	s17 =	simm.s32 @!p1 $0x6400;
	s14 =	sadd.s32 @!p1 s14, s16;
	s16 =	simm.s32 @!p1 $0x40  }
0x26: {  	[tilespmem:s15], [sflag:$0x1] =	stream.strided.gather @!p1 [hbm4b:s14+s16], $0x2000, s17, s16, $0x38;
	[tilespmem:$0x8080] =	vst v63  }
0x27: {  	p1 =	sge.u32 s31, s5  }
.Ltmp2:
0x28: {  	_ = 	snop;
	(pc) =	sbr.rel @p1 .LBB1_5-.Ltmp2, $1  }
0x29: {  	_ =	sdelay $0x3  }
0x2a: {  	s14 =	simm.s32 $0x1  }
0x2b: {  	_ =	swait.ge [sflag:s4], $0x2000;
	s14 =	simm.s32 @!p0 $0x0  }
0x2c: {  	[sflag:s4] =	ssyncset.done $0x0;
	s15 =	sshll.u32 s14, $0xD  }
0x2d: {  	[sflag:s4] =	ssyncadd.s32 $0xFFFFE000;
	s18 =	sor.u32 $0x20, s15  }
0x2e: {  	s14 =	smul.u32 $0x8100, s14;
	v3 =	vld [tilespmem:s18+$0x10]  }
0x2f: {  	s30 =	sand.u32 $0x1, s11;
	v2 =	vld [tilespmem:s18+$0xFFFFFFF0]  }
0x30: {  	s15 =	smul.u32 $0x8100, s30;
	s14 =	sshrl.u32 s14, $0x2;
	v0 =	vld [tilespmem:s18+$0x0]  }
0x31: {  	v1 =	vld [tilespmem:s18+$0xFFFFFFE0];
	s16 =	sor.u32 $0x4000, s14  }
0x32: {  	s31 =	sshrl.u32 s15, $0x2;
	s15 =	sadd.s32 $0x0, s16  }
0x33: {  	s17 =	simm.s32 $0x4;
	s18 =	sadd.s32 $0x40, s18;
	s14 =	sor.u32 $0x4000, s31;
	[tilespmem:s15+$0x1830 ss:$0x81] =	vst.msk $0xffff, v3  }
.LBB1_3:
0x34: {  	v3 =	vld [tilespmem:s18+$0x10];
	p1 =	sne.s32 s17, $0x1FC;
	[tilespmem:s15+$0x810 ss:$0x81] =	vst.msk $0xffff, v2;
	s19 =	smov.u32 s17;
	s17 =	sadd.s32 $0x4, s17  }
.Ltmp3:
0x35: {  	v2 =	vld [tilespmem:s18+$0xFFFFFFF0];
	[tilespmem:s15+$0x1020 ss:$0x81] =	vst.msk $0xffff, v0;
	(pc) =	sbr.rel @p1 .LBB1_3-.Ltmp3, $4  }
0x36: {  	v0 =	vld [tilespmem:s18+$0x0];
	[tilespmem:s15+$0x0 ss:$0x81] =	vst.msk $0xffff, v1  }
0x37: {  	s15 =	sshra.s32 s19, $0x2;
	v1 =	vld [tilespmem:s18+$0xFFFFFFE0]  }
0x38: {  	s15 =	sadd.s32 s15, s16  }
0x39: {  	s18 =	sadd.s32 $0x40, s18;
	[tilespmem:s15+$0x1830 ss:$0x81] =	vst.msk $0xffff, v3  }
.Ltmp4:
0x3a: {  	_ = 	snop;
	(pc) =	sbr.rel .LBB1_4-.Ltmp4, $1  }
0x3b: {  	_ =	sdelay $0x3  }
.LBB1_6:
0x3c: {  	_ =	sfence.sel $0x180000  }
0x3d: {  	s2 =	simm.s32 $0x1;
	[bflag:$0x0] =	sbarrier.arrive $0xFFFF  }
0x3e: {  	s31 =	simm.s32 $0x2;
	[sflag:s2] =	ssyncpa.u1 $0x1  }
0x3f: {  	[sflag:s31] =	ssyncpa.u1 $0x1  }
0x40: {  	p0 =	sne.s32 s0, $0x0;
	_ =	strace $0x9000004A  }
0x41: {  	s0 =	sadd.s32 @!p0 $0x100000, s1;
	[bflag:$0x2] =	sbarrier.arrive $0xFFFF  }
0x42: {  	[sflag:s0] =	ssyncadd.tile.s32 @!p0 $0x1;
	_ =	shalt  }
.Lfunc_end1:
_tile_overlayer_lowered:
.L_overlay_start_2:
0x43: {  	(tag) =	ssettag $0x2  }
0x44: {  	s0 =	rddreg [dreg:$0x0];
	s2 =	stileid.u32  }
0x45: {  	s1 =	rddreg [dreg:$0x1];
	p0 =	sne.s32 s2, $0x0  }
0x46: {  	s3 =	rddreg [dreg:$0x2];
	[bflag:$0x3] =	sbarrier.arrive $0xFFFF;
	s2 =	simm.s32 @!p0 $0x1C01  }
0x47: {  	[timem:s3], [sflag:s2] =	dma.local @!p0 [hbm:s0], s1  }
0x48: {  	s0 =	simm.s32 @!p0 $0x1  }
0x49: {  	_ =	swait.ge @!p0 [sflag:s0], s1  }
0x4a: {  	s1 =	ssub.s32 @!p0 $0x0, s1;
	[sflag:s0] =	ssyncset.done @!p0 $0x0  }
0x4b: {  	[sflag:s0] =	ssyncadd.s32 @!p0 s1  }
0x4c: {  	[bflag:$0x3] =	sbarrier.arrive $0xFFFF  }
0x4d: {  	_ =	shalt  }

</sc_bundles>
